<compile_context>
chip_gen: v7x
topology: tpu7x:2x2x1
jax: 0.10.2.dev20260603
libtpu: 0.0.44.dev20260713+nightly
codegen_flags: <defaults>
</compile_context>

<pallas_src>
import functools

import jax
import jax.numpy as jnp
from jax import lax
from jax.experimental import pallas as pl
from jax.experimental.pallas import tpu as pltpu
from jax.experimental.pallas import tpu_sc as plsc

BC = 4096
HW = 4096
K = 256
L = 16
NW = 32
ROWS_PER_W = BC // NW
R = 8
GROUPS = ROWS_PER_W // R
CHUNKS = HW // L

_mesh = plsc.VectorSubcoreMesh(core_axis_name="c", subcore_axis_name="s")


@functools.partial(
    pl.kernel,
    mesh=_mesh,
    out_type=jax.ShapeDtypeStruct((BC * K,), jnp.float32),
    compiler_params=pltpu.CompilerParams(needs_layout_passes=False),
    scratch_types=[
        pltpu.VMEM((HW + L,), jnp.int32),
        pltpu.VMEM((HW,), jnp.int32),
        pltpu.VMEM((2, R, HW), jnp.float32),
        pltpu.VMEM((ROWS_PER_W * K,), jnp.float32),
        pltpu.SemaphoreType.DMA,
        pltpu.SemaphoreType.DMA,
    ],
)
def _sumpool_sc(u_hbm, seg_hbm, out_hbm, seg_v, segb_v, vals_v, acc_v,
                sem0, sem1):
    wid = lax.axis_index("s") * 2 + lax.axis_index("c")
    base_row = wid * ROWS_PER_W
    pltpu.sync_copy(seg_hbm, seg_v.at[pl.ds(0, HW)])

    lanes = lax.iota(jnp.int32, L)
    m15 = lanes == (L - 1)

    def shift_body(c, carry):
        sh = plsc.load_gather(seg_v, [lanes + (c * L + 1)])
        segb_v[pl.ds(c * L, L)] = sh
        return carry

    lax.fori_loop(0, CHUNKS, shift_body, 0)

    def zero_body(i, c):
        acc_v[pl.ds(i * L, L)] = jnp.zeros((L,), jnp.float32)
        return c

    lax.fori_loop(0, ROWS_PER_W * K // L, zero_body, 0)

    bufs = (vals_v.at[0], vals_v.at[1])
    sems = (sem0, sem1)

    def in_copy(g, par):
        return pltpu.make_async_copy(
            u_hbm.at[pl.ds(base_row + g * R, R), :], bufs[par], sems[par])

    in_copy(0, 0).start()

    def reduce_group(g, par):
        in_copy(g, par).wait()

        def chunk_body(c, cc):
            raw_a = seg_v[pl.ds(c * L, L)]
            raw_b = segb_v[pl.ds(c * L, L)]
            neq = raw_a != raw_b
            mask_a = jnp.logical_or(neq, m15)
            mask_b = jnp.logical_and(neq, jnp.logical_not(m15))
            scans = [plsc.cumsum(bufs[par][r, pl.ds(c * L, L)])
                     for r in range(R)]
            for r in range(R):
                acc_r = acc_v.at[pl.ds((g * R + r) * K, K)]
                plsc.addupdate_scatter(acc_r, [raw_a], scans[r],
                                       mask=mask_a)
                plsc.addupdate_scatter(acc_r, [raw_b], -scans[r],
                                       mask=mask_b)
            return cc

        lax.fori_loop(0, CHUNKS, chunk_body, 0)

    def pair_body(p, carry):
        g0 = 2 * p
        in_copy(g0 + 1, 1).start()
        reduce_group(g0, 0)

        @pl.when(p < GROUPS // 2 - 1)
        def _():
            in_copy(g0 + 2, 0).start()

        reduce_group(g0 + 1, 1)
        return carry

    lax.fori_loop(0, GROUPS // 2, pair_body, 0)
    pltpu.sync_copy(acc_v,
                    out_hbm.at[pl.ds(base_row * K, ROWS_PER_W * K)])


def kernel(u, segment_ids):
    Bp, Cp, Hp, Wp = u.shape
    u2 = u.reshape(Bp * Cp, Hp * Wp)
    seg32 = segment_ids.astype(jnp.int32)
    out_flat = _sumpool_sc(u2, seg32)
    return out_flat.reshape(Bp, Cp, K)

# --- scband reference (transcript-rebuilt; emitter-appended) ---
"""Pipeline reference for scband-pool-35089882808587 (READ-ONLY COPY).

The authoritative reference and input builder live on the scoring server;
editing this copy changes nothing except your own understanding.
"""

import jax, jax.numpy as jnp
import numpy as np

B, C, H, W = 32, 128, 64, 64
K = 256  # number of receptive-field kernels


def setup_inputs(seed: int = 0) -> dict:
    key = jax.random.key(seed)
    k1, k2 = jax.random.split(key)
    u = jax.random.normal(k1, (B, C, H, W), dtype=jnp.float32)
    # each spatial position is assigned to one receptive field (sum_pool over rf_indices)
    segment_ids = jnp.sort(jax.random.randint(k2, (H * W,), 0, K).astype(jnp.int64))
    return {"u": u, "segment_ids": segment_ids}


def reference(u, segment_ids):
    # Receptive-field 'sum_pool': for each RF kernel k, sum u over the spatial
    # locations belonging to that RF (equivalent to apply(u, 'sum_pool',
    # rf_indices=rf_to_indices(rfs)) with disjoint binary RF masks).
    Bp, Cp, Hp, Wp = u.shape
    flat = u.reshape(Bp * Cp, Hp * Wp).T  # [HW, B*C]
    pooled = jax.ops.segment_sum(flat, segment_ids, num_segments=K)  # [K, B*C]
    out = pooled.T.reshape(Bp, Cp, K)  # (batch, ch, n_rfs)
    return out

if __name__ == "__main__":
    import jax
    _d = setup_inputs()
    print(jax.jit(kernel)(*tuple(_d.values())))

</pallas_src>

<mosaic_0001>
#map = affine_map<(d0, d1) -> (0, 0)>
#map1 = affine_map<(d0, d1) -> (0)>
module attributes {stable_mosaic.version = 14 : i64} {
  func.func @_sumpool_sc(%arg0: i32, %arg1: i32, %arg2: memref<4096x4096xf32, #tpu.memory_space<hbm>>, %arg3: memref<4096xi32, #tpu.memory_space<hbm>>, %arg4: memref<1048576xf32, #tpu.memory_space<hbm>>, %arg5: memref<4112xi32, #tpu.memory_space<vmem>>, %arg6: memref<4096xi32, #tpu.memory_space<vmem>>, %arg7: memref<2x8x4096xf32, #tpu.memory_space<vmem>>, %arg8: memref<32768xf32, #tpu.memory_space<vmem>>, %arg9: memref<!tpu.dma_semaphore, #tpu.memory_space<semaphore_mem>>, %arg10: memref<!tpu.dma_semaphore, #tpu.memory_space<semaphore_mem>>) attributes {dimension_semantics = [#tpu.dimension_semantics<core_parallel>, #tpu.dimension_semantics<subcore_parallel>], iteration_bounds = array<i64: 2, 16>, scalar_prefetch = 0 : i64, scratch_operands = 6 : i64, tpu.core_type = #tpu.core_type<sc_vector_subcore>, window_params = [{transform_indices = #map}, {transform_indices = #map1}, {transform_indices = #map1}]} {
    %mul3A = arith.constant 2 : i32
    %mul3A_0 = arith.muli %arg1, %mul3A : i32
    %add3A = arith.addi %mul3A_0, %arg0 : i32
    %mul3A_1 = arith.constant 128 : i32
    %mul3A_2 = arith.muli %add3A, %mul3A_1 : i32
    "tpu.region"() ({
      %run_scoped3A = tpu.sem_alloc : memref<!tpu.dma_semaphore, #tpu.memory_space<semaphore_mem>>
      %dma_start3A_40 = arith.constant 0 : i32
      %dma_start3A_41 = tpu.memref_slice %arg5[%dma_start3A_40] : memref<4112xi32, #tpu.memory_space<vmem>> -> memref<4096xi32, #tpu.memory_space<vmem>>
      %dma_start3A_42 = arith.constant 0 : i32
      %dma_start3A_43 = tpu.memref_slice %arg5[%dma_start3A_42] : memref<4112xi32, #tpu.memory_space<vmem>> -> memref<4096xi32, #tpu.memory_space<vmem>>
      tpu.enqueue_dma source(%arg3 : memref<4096xi32, #tpu.memory_space<hbm>>) target(%dma_start3A_43 : memref<4096xi32, #tpu.memory_space<vmem>>) target_semaphore(%run_scoped3A : memref<!tpu.dma_semaphore, #tpu.memory_space<semaphore_mem>>)
      %dma_wait3A = arith.constant 0 : i32
      %dma_wait3A_44 = tpu.memref_slice %arg5[%dma_wait3A] : memref<4112xi32, #tpu.memory_space<vmem>> -> memref<4096xi32, #tpu.memory_space<vmem>>
      %dma_wait3A_45 = arith.constant 0 : i32
      %dma_wait3A_46 = tpu.memref_slice %arg5[%dma_wait3A_45] : memref<4112xi32, #tpu.memory_space<vmem>> -> memref<4096xi32, #tpu.memory_space<vmem>>
      tpu.wait_dma2 semaphore(%run_scoped3A : memref<!tpu.dma_semaphore, #tpu.memory_space<semaphore_mem>>) src(%arg3 : memref<4096xi32, #tpu.memory_space<hbm>>) dst(%dma_wait3A_46 : memref<4096xi32, #tpu.memory_space<vmem>>)
      tpu.yield
    }) : () -> ()
    %iota3A = tpu.iota {dimensions = array<i32: 0>} : vector<16xi32>
    %eq3A = arith.constant 15 : i32
    %eq3A_3 = vector.broadcast %eq3A : i32 to vector<16xi32>
    %eq3A_4 = arith.cmpi eq, %iota3A, %eq3A_3 : vector<16xi32>
    %scan3A = arith.constant 0 : i32
    %scan3A_5 = arith.constant 0 : i32
    %scan3A_6 = arith.constant 256 : i32
    %scan3A_7 = arith.addi %scan3A_5, %scan3A_6 : i32
    %scan3A_8 = arith.constant 1 : i32
    scf.for %scan3A_40 = %scan3A_5 to %scan3A_7 step %scan3A_8  : i32 {
      %mul3A_41 = arith.constant 16 : i32
      %mul3A_42 = arith.muli %scan3A_40, %mul3A_41 : i32
      %add3A_43 = arith.constant 1 : i32
      %add3A_44 = arith.addi %mul3A_42, %add3A_43 : i32
      %add3A_45 = vector.broadcast %add3A_44 : i32 to vector<16xi32>
      %add3A_46 = arith.addi %iota3A, %add3A_45 : vector<16xi32>
      %gather3A = tpu.vector_load_idx %arg5[%add3A_46] : memref<4112xi32, #tpu.memory_space<vmem>>[vector<16xi32>], vector<16xi32>,
      %mul3A_47 = arith.constant 16 : i32
      %mul3A_48 = arith.muli %scan3A_40, %mul3A_47 : i32
      %swap3A = arith.index_cast %mul3A_48 : i32 to index
      %swap3A_49 = tpu.vector_load %arg6[%swap3A] {strides = array<i32>} : memref<4096xi32, #tpu.memory_space<vmem>>, vector<16xi32>,
      tpu.vector_store %arg6[%swap3A], %gather3A {strides = array<i32>} : memref<4096xi32, #tpu.memory_space<vmem>>, vector<16xi32>,
    }
    %scan3A_9 = arith.constant 256 : i32
    %scan3A_10 = arith.constant 0 : i32
    %scan3A_11 = arith.constant 0 : i32
    %scan3A_12 = arith.constant 2048 : i32
    %scan3A_13 = arith.addi %scan3A_11, %scan3A_12 : i32
    %scan3A_14 = arith.constant 1 : i32
    scf.for %scan3A_40 = %scan3A_11 to %scan3A_13 step %scan3A_14  : i32 {
      %broadcast_in_dim3A = arith.constant 0.000000e+00 : f32
      %broadcast_in_dim3A_41 = vector.broadcast %broadcast_in_dim3A : f32 to vector<16xf32>
      %mul3A_42 = arith.constant 16 : i32
      %mul3A_43 = arith.muli %scan3A_40, %mul3A_42 : i32
      %swap3A = arith.index_cast %mul3A_43 : i32 to index
      %swap3A_44 = tpu.vector_load %arg8[%swap3A] {strides = array<i32>} : memref<32768xf32, #tpu.memory_space<vmem>>, vector<16xf32>,
      tpu.vector_store %arg8[%swap3A], %broadcast_in_dim3A_41 {strides = array<i32>} : memref<32768xf32, #tpu.memory_space<vmem>>, vector<16xf32>,
    }
    %scan3A_15 = arith.constant 2048 : i32
    %add3A_16 = arith.constant 0 : i32
    %add3A_17 = arith.addi %mul3A_2, %add3A_16 : i32
    %dma_start3A = arith.constant 0 : i32
    %dma_start3A_18 = arith.constant 0 : i32
    %dma_start3A_19 = arith.constant 0 : i32
    %dma_start3A_20 = tpu.memref_slice %arg7[%dma_start3A, %dma_start3A_18, %dma_start3A_19] : memref<2x8x4096xf32, #tpu.memory_space<vmem>> -> memref<1x8x4096xf32, #tpu.memory_space<vmem>>
    %dma_start3A_21 = tpu.memref_squeeze %dma_start3A_20 : memref<1x8x4096xf32, #tpu.memory_space<vmem>> -> memref<8x4096xf32, #tpu.memory_space<vmem>>
    %dma_start3A_22 = arith.constant 0 : i32
    %dma_start3A_23 = tpu.memref_slice %arg2[%add3A_17, %dma_start3A_22] : memref<4096x4096xf32, #tpu.memory_space<hbm>> -> memref<8x4096xf32, #tpu.memory_space<hbm>>
    %dma_start3A_24 = arith.constant 0 : i32
    %dma_start3A_25 = arith.constant 0 : i32
    %dma_start3A_26 = tpu.memref_slice %arg7[%dma_start3A, %dma_start3A_24, %dma_start3A_25] : memref<2x8x4096xf32, #tpu.memory_space<vmem>> -> memref<1x8x4096xf32, #tpu.memory_space<vmem>>
    %dma_start3A_27 = tpu.memref_squeeze %dma_start3A_26 : memref<1x8x4096xf32, #tpu.memory_space<vmem>> -> memref<8x4096xf32, #tpu.memory_space<vmem>>
    %dma_start3A_28 = arith.constant 0 : i32
    %dma_start3A_29 = tpu.memref_slice %arg2[%add3A_17, %dma_start3A_28] : memref<4096x4096xf32, #tpu.memory_space<hbm>> -> memref<8x4096xf32, #tpu.memory_space<hbm>>
    tpu.enqueue_dma source(%dma_start3A_29 : memref<8x4096xf32, #tpu.memory_space<hbm>>) target(%dma_start3A_27 : memref<8x4096xf32, #tpu.memory_space<vmem>>) target_semaphore(%arg9 : memref<!tpu.dma_semaphore, #tpu.memory_space<semaphore_mem>>)
    %scan3A_30 = arith.constant 0 : i32
    %scan3A_31 = arith.constant 1 : i32
    %scan3A_32 = arith.constant 0 : i32
    %scan3A_33 = arith.constant 0 : i32
    %scan3A_34 = arith.constant 8 : i32
    %scan3A_35 = arith.addi %scan3A_33, %scan3A_34 : i32
    %scan3A_36 = arith.constant 1 : i32
    scf.for %scan3A_40 = %scan3A_33 to %scan3A_35 step %scan3A_36  : i32 {
      %mul3A_41 = arith.constant 2 : i32
      %mul3A_42 = arith.muli %mul3A_41, %scan3A_40 : i32
      %add3A_43 = arith.constant 1 : i32
      %add3A_44 = arith.addi %mul3A_42, %add3A_43 : i32
      %mul3A_45 = arith.constant 8 : i32
      %mul3A_46 = arith.muli %add3A_44, %mul3A_45 : i32
      %add3A_47 = arith.addi %mul3A_2, %mul3A_46 : i32
      %dma_start3A_48 = arith.constant 0 : i32
      %dma_start3A_49 = arith.constant 0 : i32
      %dma_start3A_50 = tpu.memref_slice %arg7[%scan3A_31, %dma_start3A_48, %dma_start3A_49] : memref<2x8x4096xf32, #tpu.memory_space<vmem>> -> memref<1x8x4096xf32, #tpu.memory_space<vmem>>
      %dma_start3A_51 = tpu.memref_squeeze %dma_start3A_50 : memref<1x8x4096xf32, #tpu.memory_space<vmem>> -> memref<8x4096xf32, #tpu.memory_space<vmem>>
      %dma_start3A_52 = arith.constant 0 : i32
      %dma_start3A_53 = tpu.memref_slice %arg2[%add3A_47, %dma_start3A_52] : memref<4096x4096xf32, #tpu.memory_space<hbm>> -> memref<8x4096xf32, #tpu.memory_space<hbm>>
      %dma_start3A_54 = arith.constant 0 : i32
      %dma_start3A_55 = arith.constant 0 : i32
      %dma_start3A_56 = tpu.memref_slice %arg7[%scan3A_31, %dma_start3A_54, %dma_start3A_55] : memref<2x8x4096xf32, #tpu.memory_space<vmem>> -> memref<1x8x4096xf32, #tpu.memory_space<vmem>>
      %dma_start3A_57 = tpu.memref_squeeze %dma_start3A_56 : memref<1x8x4096xf32, #tpu.memory_space<vmem>> -> memref<8x4096xf32, #tpu.memory_space<vmem>>
      %dma_start3A_58 = arith.constant 0 : i32
      %dma_start3A_59 = tpu.memref_slice %arg2[%add3A_47, %dma_start3A_58] : memref<4096x4096xf32, #tpu.memory_space<hbm>> -> memref<8x4096xf32, #tpu.memory_space<hbm>>
      tpu.enqueue_dma source(%dma_start3A_59 : memref<8x4096xf32, #tpu.memory_space<hbm>>) target(%dma_start3A_57 : memref<8x4096xf32, #tpu.memory_space<vmem>>) target_semaphore(%arg10 : memref<!tpu.dma_semaphore, #tpu.memory_space<semaphore_mem>>)
      %mul3A_60 = arith.constant 8 : i32
      %mul3A_61 = arith.muli %mul3A_42, %mul3A_60 : i32
      %add3A_62 = arith.addi %mul3A_2, %mul3A_61 : i32
      %dma_wait3A = arith.constant 0 : i32
      %dma_wait3A_63 = arith.constant 0 : i32
      %dma_wait3A_64 = tpu.memref_slice %arg7[%scan3A_32, %dma_wait3A, %dma_wait3A_63] : memref<2x8x4096xf32, #tpu.memory_space<vmem>> -> memref<1x8x4096xf32, #tpu.memory_space<vmem>>
      %dma_wait3A_65 = tpu.memref_squeeze %dma_wait3A_64 : memref<1x8x4096xf32, #tpu.memory_space<vmem>> -> memref<8x4096xf32, #tpu.memory_space<vmem>>
      %dma_wait3A_66 = arith.constant 0 : i32
      %dma_wait3A_67 = tpu.memref_slice %arg2[%add3A_62, %dma_wait3A_66] : memref<4096x4096xf32, #tpu.memory_space<hbm>> -> memref<8x4096xf32, #tpu.memory_space<hbm>>
      %dma_wait3A_68 = arith.constant 0 : i32
      %dma_wait3A_69 = arith.constant 0 : i32
      %dma_wait3A_70 = tpu.memref_slice %arg7[%scan3A_32, %dma_wait3A_68, %dma_wait3A_69] : memref<2x8x4096xf32, #tpu.memory_space<vmem>> -> memref<1x8x4096xf32, #tpu.memory_space<vmem>>
      %dma_wait3A_71 = tpu.memref_squeeze %dma_wait3A_70 : memref<1x8x4096xf32, #tpu.memory_space<vmem>> -> memref<8x4096xf32, #tpu.memory_space<vmem>>
      %dma_wait3A_72 = arith.constant 0 : i32
      %dma_wait3A_73 = tpu.memref_slice %arg2[%add3A_62, %dma_wait3A_72] : memref<4096x4096xf32, #tpu.memory_space<hbm>> -> memref<8x4096xf32, #tpu.memory_space<hbm>>
      tpu.wait_dma2 semaphore(%arg9 : memref<!tpu.dma_semaphore, #tpu.memory_space<semaphore_mem>>) src(%dma_wait3A_73 : memref<8x4096xf32, #tpu.memory_space<hbm>>) dst(%dma_wait3A_71 : memref<8x4096xf32, #tpu.memory_space<vmem>>)
      %scan3A_74 = arith.constant 0 : i32
      %scan3A_75 = arith.constant 0 : i32
      %scan3A_76 = arith.constant 256 : i32
      %scan3A_77 = arith.addi %scan3A_75, %scan3A_76 : i32
      %scan3A_78 = arith.constant 1 : i32
      scf.for %scan3A_105 = %scan3A_75 to %scan3A_77 step %scan3A_78  : i32 {
        %mul3A_106 = arith.constant 16 : i32
        %mul3A_107 = arith.muli %scan3A_105, %mul3A_106 : i32
        %get3A = arith.index_cast %mul3A_107 : i32 to index
        %get3A_108 = tpu.vector_load %arg5[%get3A] {strides = array<i32>} : memref<4112xi32, #tpu.memory_space<vmem>>, vector<16xi32>,
        %mul3A_109 = arith.constant 16 : i32
        %mul3A_110 = arith.muli %scan3A_105, %mul3A_109 : i32
        %get3A_111 = arith.index_cast %mul3A_110 : i32 to index
        %get3A_112 = tpu.vector_load %arg6[%get3A_111] {strides = array<i32>} : memref<4096xi32, #tpu.memory_space<vmem>>, vector<16xi32>,
        %ne3A = arith.cmpi ne, %get3A_108, %get3A_112 : vector<16xi32>
        %or3A = arith.ori %ne3A, %eq3A_4 : vector<16xi1>
        %not3A = arith.constant dense<true> : vector<16xi1>
        %not3A_113 = arith.xori %eq3A_4, %not3A : vector<16xi1>
        %and3A = arith.andi %ne3A, %not3A_113 : vector<16xi1>
        %mul3A_114 = arith.constant 16 : i32
        %mul3A_115 = arith.muli %scan3A_105, %mul3A_114 : i32
        %get3A_116 = arith.constant 0 : i32
        %get3A_117 = arith.constant 0 : i32
        %get3A_118 = arith.constant 0 : i32
        %get3A_119 = tpu.memref_slice %arg7[%scan3A_32, %get3A_117, %get3A_118] : memref<2x8x4096xf32, #tpu.memory_space<vmem>> -> memref<1x8x4096xf32, #tpu.memory_space<vmem>>
        %get3A_120 = tpu.memref_squeeze %get3A_119 : memref<1x8x4096xf32, #tpu.memory_space<vmem>> -> memref<8x4096xf32, #tpu.memory_space<vmem>>
        %get3A_121 = arith.index_cast %get3A_116 : i32 to index
        %get3A_122 = arith.index_cast %mul3A_115 : i32 to index
        %get3A_123 = tpu.vector_load %get3A_120[%get3A_121, %get3A_122] {strides = array<i32>} : memref<8x4096xf32, #tpu.memory_space<vmem>>, vector<16xf32>,
        %broadcast_in_dim3A = arith.constant true
        %broadcast_in_dim3A_124 = vector.broadcast %broadcast_in_dim3A : i1 to vector<16xi1>
        %masked_cumsum3A = tpu.scan <sum>, %get3A_123 masked %broadcast_in_dim3A_124 : vector<16xf32>, vector<16xi1> -> vector<16xf32>
        %mul3A_125 = arith.constant 16 : i32
        %mul3A_126 = arith.muli %scan3A_105, %mul3A_125 : i32
        %get3A_127 = arith.constant 1 : i32
        %get3A_128 = arith.constant 0 : i32
        %get3A_129 = arith.constant 0 : i32
        %get3A_130 = tpu.memref_slice %arg7[%scan3A_32, %get3A_128, %get3A_129] : memref<2x8x4096xf32, #tpu.memory_space<vmem>> -> memref<1x8x4096xf32, #tpu.memory_space<vmem>>
        %get3A_131 = tpu.memref_squeeze %get3A_130 : memref<1x8x4096xf32, #tpu.memory_space<vmem>> -> memref<8x4096xf32, #tpu.memory_space<vmem>>
        %get3A_132 = arith.index_cast %get3A_127 : i32 to index
        %get3A_133 = arith.index_cast %mul3A_126 : i32 to index
        %get3A_134 = tpu.vector_load %get3A_131[%get3A_132, %get3A_133] {strides = array<i32>} : memref<8x4096xf32, #tpu.memory_space<vmem>>, vector<16xf32>,
        %broadcast_in_dim3A_135 = arith.constant true
        %broadcast_in_dim3A_136 = vector.broadcast %broadcast_in_dim3A_135 : i1 to vector<16xi1>
        %masked_cumsum3A_137 = tpu.scan <sum>, %get3A_134 masked %broadcast_in_dim3A_136 : vector<16xf32>, vector<16xi1> -> vector<16xf32>
        %mul3A_138 = arith.constant 16 : i32
        %mul3A_139 = arith.muli %scan3A_105, %mul3A_138 : i32
        %get3A_140 = arith.constant 2 : i32
        %get3A_141 = arith.constant 0 : i32
        %get3A_142 = arith.constant 0 : i32
        %get3A_143 = tpu.memref_slice %arg7[%scan3A_32, %get3A_141, %get3A_142] : memref<2x8x4096xf32, #tpu.memory_space<vmem>> -> memref<1x8x4096xf32, #tpu.memory_space<vmem>>
        %get3A_144 = tpu.memref_squeeze %get3A_143 : memref<1x8x4096xf32, #tpu.memory_space<vmem>> -> memref<8x4096xf32, #tpu.memory_space<vmem>>
        %get3A_145 = arith.index_cast %get3A_140 : i32 to index
        %get3A_146 = arith.index_cast %mul3A_139 : i32 to index
        %get3A_147 = tpu.vector_load %get3A_144[%get3A_145, %get3A_146] {strides = array<i32>} : memref<8x4096xf32, #tpu.memory_space<vmem>>, vector<16xf32>,
        %broadcast_in_dim3A_148 = arith.constant true
        %broadcast_in_dim3A_149 = vector.broadcast %broadcast_in_dim3A_148 : i1 to vector<16xi1>
        %masked_cumsum3A_150 = tpu.scan <sum>, %get3A_147 masked %broadcast_in_dim3A_149 : vector<16xf32>, vector<16xi1> -> vector<16xf32>
        %mul3A_151 = arith.constant 16 : i32
        %mul3A_152 = arith.muli %scan3A_105, %mul3A_151 : i32
        %get3A_153 = arith.constant 3 : i32
        %get3A_154 = arith.constant 0 : i32
        %get3A_155 = arith.constant 0 : i32
        %get3A_156 = tpu.memref_slice %arg7[%scan3A_32, %get3A_154, %get3A_155] : memref<2x8x4096xf32, #tpu.memory_space<vmem>> -> memref<1x8x4096xf32, #tpu.memory_space<vmem>>
        %get3A_157 = tpu.memref_squeeze %get3A_156 : memref<1x8x4096xf32, #tpu.memory_space<vmem>> -> memref<8x4096xf32, #tpu.memory_space<vmem>>
        %get3A_158 = arith.index_cast %get3A_153 : i32 to index
        %get3A_159 = arith.index_cast %mul3A_152 : i32 to index
        %get3A_160 = tpu.vector_load %get3A_157[%get3A_158, %get3A_159] {strides = array<i32>} : memref<8x4096xf32, #tpu.memory_space<vmem>>, vector<16xf32>,
        %broadcast_in_dim3A_161 = arith.constant true
        %broadcast_in_dim3A_162 = vector.broadcast %broadcast_in_dim3A_161 : i1 to vector<16xi1>
        %masked_cumsum3A_163 = tpu.scan <sum>, %get3A_160 masked %broadcast_in_dim3A_162 : vector<16xf32>, vector<16xi1> -> vector<16xf32>
        %mul3A_164 = arith.constant 16 : i32
        %mul3A_165 = arith.muli %scan3A_105, %mul3A_164 : i32
        %get3A_166 = arith.constant 4 : i32
        %get3A_167 = arith.constant 0 : i32
        %get3A_168 = arith.constant 0 : i32
        %get3A_169 = tpu.memref_slice %arg7[%scan3A_32, %get3A_167, %get3A_168] : memref<2x8x4096xf32, #tpu.memory_space<vmem>> -> memref<1x8x4096xf32, #tpu.memory_space<vmem>>
        %get3A_170 = tpu.memref_squeeze %get3A_169 : memref<1x8x4096xf32, #tpu.memory_space<vmem>> -> memref<8x4096xf32, #tpu.memory_space<vmem>>
        %get3A_171 = arith.index_cast %get3A_166 : i32 to index
        %get3A_172 = arith.index_cast %mul3A_165 : i32 to index
        %get3A_173 = tpu.vector_load %get3A_170[%get3A_171, %get3A_172] {strides = array<i32>} : memref<8x4096xf32, #tpu.memory_space<vmem>>, vector<16xf32>,
        %broadcast_in_dim3A_174 = arith.constant true
        %broadcast_in_dim3A_175 = vector.broadcast %broadcast_in_dim3A_174 : i1 to vector<16xi1>
        %masked_cumsum3A_176 = tpu.scan <sum>, %get3A_173 masked %broadcast_in_dim3A_175 : vector<16xf32>, vector<16xi1> -> vector<16xf32>
        %mul3A_177 = arith.constant 16 : i32
        %mul3A_178 = arith.muli %scan3A_105, %mul3A_177 : i32
        %get3A_179 = arith.constant 5 : i32
        %get3A_180 = arith.constant 0 : i32
        %get3A_181 = arith.constant 0 : i32
        %get3A_182 = tpu.memref_slice %arg7[%scan3A_32, %get3A_180, %get3A_181] : memref<2x8x4096xf32, #tpu.memory_space<vmem>> -> memref<1x8x4096xf32, #tpu.memory_space<vmem>>
        %get3A_183 = tpu.memref_squeeze %get3A_182 : memref<1x8x4096xf32, #tpu.memory_space<vmem>> -> memref<8x4096xf32, #tpu.memory_space<vmem>>
        %get3A_184 = arith.index_cast %get3A_179 : i32 to index
        %get3A_185 = arith.index_cast %mul3A_178 : i32 to index
        %get3A_186 = tpu.vector_load %get3A_183[%get3A_184, %get3A_185] {strides = array<i32>} : memref<8x4096xf32, #tpu.memory_space<vmem>>, vector<16xf32>,
        %broadcast_in_dim3A_187 = arith.constant true
        %broadcast_in_dim3A_188 = vector.broadcast %broadcast_in_dim3A_187 : i1 to vector<16xi1>
        %masked_cumsum3A_189 = tpu.scan <sum>, %get3A_186 masked %broadcast_in_dim3A_188 : vector<16xf32>, vector<16xi1> -> vector<16xf32>
        %mul3A_190 = arith.constant 16 : i32
        %mul3A_191 = arith.muli %scan3A_105, %mul3A_190 : i32
        %get3A_192 = arith.constant 6 : i32
        %get3A_193 = arith.constant 0 : i32
        %get3A_194 = arith.constant 0 : i32
        %get3A_195 = tpu.memref_slice %arg7[%scan3A_32, %get3A_193, %get3A_194] : memref<2x8x4096xf32, #tpu.memory_space<vmem>> -> memref<1x8x4096xf32, #tpu.memory_space<vmem>>
        %get3A_196 = tpu.memref_squeeze %get3A_195 : memref<1x8x4096xf32, #tpu.memory_space<vmem>> -> memref<8x4096xf32, #tpu.memory_space<vmem>>
        %get3A_197 = arith.index_cast %get3A_192 : i32 to index
        %get3A_198 = arith.index_cast %mul3A_191 : i32 to index
        %get3A_199 = tpu.vector_load %get3A_196[%get3A_197, %get3A_198] {strides = array<i32>} : memref<8x4096xf32, #tpu.memory_space<vmem>>, vector<16xf32>,
        %broadcast_in_dim3A_200 = arith.constant true
        %broadcast_in_dim3A_201 = vector.broadcast %broadcast_in_dim3A_200 : i1 to vector<16xi1>
        %masked_cumsum3A_202 = tpu.scan <sum>, %get3A_199 masked %broadcast_in_dim3A_201 : vector<16xf32>, vector<16xi1> -> vector<16xf32>
        %mul3A_203 = arith.constant 16 : i32
        %mul3A_204 = arith.muli %scan3A_105, %mul3A_203 : i32
        %get3A_205 = arith.constant 7 : i32
        %get3A_206 = arith.constant 0 : i32
        %get3A_207 = arith.constant 0 : i32
        %get3A_208 = tpu.memref_slice %arg7[%scan3A_32, %get3A_206, %get3A_207] : memref<2x8x4096xf32, #tpu.memory_space<vmem>> -> memref<1x8x4096xf32, #tpu.memory_space<vmem>>
        %get3A_209 = tpu.memref_squeeze %get3A_208 : memref<1x8x4096xf32, #tpu.memory_space<vmem>> -> memref<8x4096xf32, #tpu.memory_space<vmem>>
        %get3A_210 = arith.index_cast %get3A_205 : i32 to index
        %get3A_211 = arith.index_cast %mul3A_204 : i32 to index
        %get3A_212 = tpu.vector_load %get3A_209[%get3A_210, %get3A_211] {strides = array<i32>} : memref<8x4096xf32, #tpu.memory_space<vmem>>, vector<16xf32>,
        %broadcast_in_dim3A_213 = arith.constant true
        %broadcast_in_dim3A_214 = vector.broadcast %broadcast_in_dim3A_213 : i1 to vector<16xi1>
        %masked_cumsum3A_215 = tpu.scan <sum>, %get3A_212 masked %broadcast_in_dim3A_214 : vector<16xf32>, vector<16xi1> -> vector<16xf32>
        %mul3A_216 = arith.constant 8 : i32
        %mul3A_217 = arith.muli %mul3A_42, %mul3A_216 : i32
        %add3A_218 = arith.constant 0 : i32
        %add3A_219 = arith.addi %mul3A_217, %add3A_218 : i32
        %mul3A_220 = arith.constant 256 : i32
        %mul3A_221 = arith.muli %add3A_219, %mul3A_220 : i32
        %scatter3A = tpu.memref_slice %arg8[%mul3A_221] : memref<32768xf32, #tpu.memory_space<vmem>> -> memref<256xf32, #tpu.memory_space<vmem>>
        tpu.vector_store_idx %scatter3A[%get3A_108], %masked_cumsum3A masked %or3A {add = true} : memref<256xf32, #tpu.memory_space<vmem>>[vector<16xi32>], vector<16xf32>, vector<16xi1>
        %neg3A = arith.constant 0.000000e+00 : f32
        %neg3A_222 = vector.broadcast %neg3A : f32 to vector<16xf32>
        %neg3A_223 = arith.subf %neg3A_222, %masked_cumsum3A : vector<16xf32>
        %scatter3A_224 = tpu.memref_slice %arg8[%mul3A_221] : memref<32768xf32, #tpu.memory_space<vmem>> -> memref<256xf32, #tpu.memory_space<vmem>>
        tpu.vector_store_idx %scatter3A_224[%get3A_112], %neg3A_223 masked %and3A {add = true} : memref<256xf32, #tpu.memory_space<vmem>>[vector<16xi32>], vector<16xf32>, vector<16xi1>
        %mul3A_225 = arith.constant 8 : i32
        %mul3A_226 = arith.muli %mul3A_42, %mul3A_225 : i32
        %add3A_227 = arith.constant 1 : i32
        %add3A_228 = arith.addi %mul3A_226, %add3A_227 : i32
        %mul3A_229 = arith.constant 256 : i32
        %mul3A_230 = arith.muli %add3A_228, %mul3A_229 : i32
        %scatter3A_231 = tpu.memref_slice %arg8[%mul3A_230] : memref<32768xf32, #tpu.memory_space<vmem>> -> memref<256xf32, #tpu.memory_space<vmem>>
        tpu.vector_store_idx %scatter3A_231[%get3A_108], %masked_cumsum3A_137 masked %or3A {add = true} : memref<256xf32, #tpu.memory_space<vmem>>[vector<16xi32>], vector<16xf32>, vector<16xi1>
        %neg3A_232 = arith.constant 0.000000e+00 : f32
        %neg3A_233 = vector.broadcast %neg3A_232 : f32 to vector<16xf32>
        %neg3A_234 = arith.subf %neg3A_233, %masked_cumsum3A_137 : vector<16xf32>
        %scatter3A_235 = tpu.memref_slice %arg8[%mul3A_230] : memref<32768xf32, #tpu.memory_space<vmem>> -> memref<256xf32, #tpu.memory_space<vmem>>
        tpu.vector_store_idx %scatter3A_235[%get3A_112], %neg3A_234 masked %and3A {add = true} : memref<256xf32, #tpu.memory_space<vmem>>[vector<16xi32>], vector<16xf32>, vector<16xi1>
        %mul3A_236 = arith.constant 8 : i32
        %mul3A_237 = arith.muli %mul3A_42, %mul3A_236 : i32
        %add3A_238 = arith.constant 2 : i32
        %add3A_239 = arith.addi %mul3A_237, %add3A_238 : i32
        %mul3A_240 = arith.constant 256 : i32
        %mul3A_241 = arith.muli %add3A_239, %mul3A_240 : i32
        %scatter3A_242 = tpu.memref_slice %arg8[%mul3A_241] : memref<32768xf32, #tpu.memory_space<vmem>> -> memref<256xf32, #tpu.memory_space<vmem>>
        tpu.vector_store_idx %scatter3A_242[%get3A_108], %masked_cumsum3A_150 masked %or3A {add = true} : memref<256xf32, #tpu.memory_space<vmem>>[vector<16xi32>], vector<16xf32>, vector<16xi1>
        %neg3A_243 = arith.constant 0.000000e+00 : f32
        %neg3A_244 = vector.broadcast %neg3A_243 : f32 to vector<16xf32>
        %neg3A_245 = arith.subf %neg3A_244, %masked_cumsum3A_150 : vector<16xf32>
        %scatter3A_246 = tpu.memref_slice %arg8[%mul3A_241] : memref<32768xf32, #tpu.memory_space<vmem>> -> memref<256xf32, #tpu.memory_space<vmem>>
        tpu.vector_store_idx %scatter3A_246[%get3A_112], %neg3A_245 masked %and3A {add = true} : memref<256xf32, #tpu.memory_space<vmem>>[vector<16xi32>], vector<16xf32>, vector<16xi1>
        %mul3A_247 = arith.constant 8 : i32
        %mul3A_248 = arith.muli %mul3A_42, %mul3A_247 : i32
        %add3A_249 = arith.constant 3 : i32
        %add3A_250 = arith.addi %mul3A_248, %add3A_249 : i32
        %mul3A_251 = arith.constant 256 : i32
        %mul3A_252 = arith.muli %add3A_250, %mul3A_251 : i32
        %scatter3A_253 = tpu.memref_slice %arg8[%mul3A_252] : memref<32768xf32, #tpu.memory_space<vmem>> -> memref<256xf32, #tpu.memory_space<vmem>>
        tpu.vector_store_idx %scatter3A_253[%get3A_108], %masked_cumsum3A_163 masked %or3A {add = true} : memref<256xf32, #tpu.memory_space<vmem>>[vector<16xi32>], vector<16xf32>, vector<16xi1>
        %neg3A_254 = arith.constant 0.000000e+00 : f32
        %neg3A_255 = vector.broadcast %neg3A_254 : f32 to vector<16xf32>
        %neg3A_256 = arith.subf %neg3A_255, %masked_cumsum3A_163 : vector<16xf32>
        %scatter3A_257 = tpu.memref_slice %arg8[%mul3A_252] : memref<32768xf32, #tpu.memory_space<vmem>> -> memref<256xf32, #tpu.memory_space<vmem>>
        tpu.vector_store_idx %scatter3A_257[%get3A_112], %neg3A_256 masked %and3A {add = true} : memref<256xf32, #tpu.memory_space<vmem>>[vector<16xi32>], vector<16xf32>, vector<16xi1>
        %mul3A_258 = arith.constant 8 : i32
        %mul3A_259 = arith.muli %mul3A_42, %mul3A_258 : i32
        %add3A_260 = arith.constant 4 : i32
        %add3A_261 = arith.addi %mul3A_259, %add3A_260 : i32
        %mul3A_262 = arith.constant 256 : i32
        %mul3A_263 = arith.muli %add3A_261, %mul3A_262 : i32
        %scatter3A_264 = tpu.memref_slice %arg8[%mul3A_263] : memref<32768xf32, #tpu.memory_space<vmem>> -> memref<256xf32, #tpu.memory_space<vmem>>
        tpu.vector_store_idx %scatter3A_264[%get3A_108], %masked_cumsum3A_176 masked %or3A {add = true} : memref<256xf32, #tpu.memory_space<vmem>>[vector<16xi32>], vector<16xf32>, vector<16xi1>
        %neg3A_265 = arith.constant 0.000000e+00 : f32
        %neg3A_266 = vector.broadcast %neg3A_265 : f32 to vector<16xf32>
        %neg3A_267 = arith.subf %neg3A_266, %masked_cumsum3A_176 : vector<16xf32>
        %scatter3A_268 = tpu.memref_slice %arg8[%mul3A_263] : memref<32768xf32, #tpu.memory_space<vmem>> -> memref<256xf32, #tpu.memory_space<vmem>>
        tpu.vector_store_idx %scatter3A_268[%get3A_112], %neg3A_267 masked %and3A {add = true} : memref<256xf32, #tpu.memory_space<vmem>>[vector<16xi32>], vector<16xf32>, vector<16xi1>
        %mul3A_269 = arith.constant 8 : i32
        %mul3A_270 = arith.muli %mul3A_42, %mul3A_269 : i32
        %add3A_271 = arith.constant 5 : i32
        %add3A_272 = arith.addi %mul3A_270, %add3A_271 : i32
        %mul3A_273 = arith.constant 256 : i32
        %mul3A_274 = arith.muli %add3A_272, %mul3A_273 : i32
        %scatter3A_275 = tpu.memref_slice %arg8[%mul3A_274] : memref<32768xf32, #tpu.memory_space<vmem>> -> memref<256xf32, #tpu.memory_space<vmem>>
        tpu.vector_store_idx %scatter3A_275[%get3A_108], %masked_cumsum3A_189 masked %or3A {add = true} : memref<256xf32, #tpu.memory_space<vmem>>[vector<16xi32>], vector<16xf32>, vector<16xi1>
        %neg3A_276 = arith.constant 0.000000e+00 : f32
        %neg3A_277 = vector.broadcast %neg3A_276 : f32 to vector<16xf32>
        %neg3A_278 = arith.subf %neg3A_277, %masked_cumsum3A_189 : vector<16xf32>
        %scatter3A_279 = tpu.memref_slice %arg8[%mul3A_274] : memref<32768xf32, #tpu.memory_space<vmem>> -> memref<256xf32, #tpu.memory_space<vmem>>
        tpu.vector_store_idx %scatter3A_279[%get3A_112], %neg3A_278 masked %and3A {add = true} : memref<256xf32, #tpu.memory_space<vmem>>[vector<16xi32>], vector<16xf32>, vector<16xi1>
        %mul3A_280 = arith.constant 8 : i32
        %mul3A_281 = arith.muli %mul3A_42, %mul3A_280 : i32
        %add3A_282 = arith.constant 6 : i32
        %add3A_283 = arith.addi %mul3A_281, %add3A_282 : i32
        %mul3A_284 = arith.constant 256 : i32
        %mul3A_285 = arith.muli %add3A_283, %mul3A_284 : i32
        %scatter3A_286 = tpu.memref_slice %arg8[%mul3A_285] : memref<32768xf32, #tpu.memory_space<vmem>> -> memref<256xf32, #tpu.memory_space<vmem>>
        tpu.vector_store_idx %scatter3A_286[%get3A_108], %masked_cumsum3A_202 masked %or3A {add = true} : memref<256xf32, #tpu.memory_space<vmem>>[vector<16xi32>], vector<16xf32>, vector<16xi1>
        %neg3A_287 = arith.constant 0.000000e+00 : f32
        %neg3A_288 = vector.broadcast %neg3A_287 : f32 to vector<16xf32>
        %neg3A_289 = arith.subf %neg3A_288, %masked_cumsum3A_202 : vector<16xf32>
        %scatter3A_290 = tpu.memref_slice %arg8[%mul3A_285] : memref<32768xf32, #tpu.memory_space<vmem>> -> memref<256xf32, #tpu.memory_space<vmem>>
        tpu.vector_store_idx %scatter3A_290[%get3A_112], %neg3A_289 masked %and3A {add = true} : memref<256xf32, #tpu.memory_space<vmem>>[vector<16xi32>], vector<16xf32>, vector<16xi1>
        %mul3A_291 = arith.constant 8 : i32
        %mul3A_292 = arith.muli %mul3A_42, %mul3A_291 : i32
        %add3A_293 = arith.constant 7 : i32
        %add3A_294 = arith.addi %mul3A_292, %add3A_293 : i32
        %mul3A_295 = arith.constant 256 : i32
        %mul3A_296 = arith.muli %add3A_294, %mul3A_295 : i32
        %scatter3A_297 = tpu.memref_slice %arg8[%mul3A_296] : memref<32768xf32, #tpu.memory_space<vmem>> -> memref<256xf32, #tpu.memory_space<vmem>>
        tpu.vector_store_idx %scatter3A_297[%get3A_108], %masked_cumsum3A_215 masked %or3A {add = true} : memref<256xf32, #tpu.memory_space<vmem>>[vector<16xi32>], vector<16xf32>, vector<16xi1>
        %neg3A_298 = arith.constant 0.000000e+00 : f32
        %neg3A_299 = vector.broadcast %neg3A_298 : f32 to vector<16xf32>
        %neg3A_300 = arith.subf %neg3A_299, %masked_cumsum3A_215 : vector<16xf32>
        %scatter3A_301 = tpu.memref_slice %arg8[%mul3A_296] : memref<32768xf32, #tpu.memory_space<vmem>> -> memref<256xf32, #tpu.memory_space<vmem>>
        tpu.vector_store_idx %scatter3A_301[%get3A_112], %neg3A_300 masked %and3A {add = true} : memref<256xf32, #tpu.memory_space<vmem>>[vector<16xi32>], vector<16xf32>, vector<16xi1>
      }
      %scan3A_79 = arith.constant 256 : i32
      %lt3A = arith.constant 7 : i32
      %lt3A_80 = arith.cmpi slt, %scan3A_40, %lt3A : i32
      %convert_element_type3A = arith.extui %lt3A_80 : i1 to i32
      %cond3A = arith.constant 0 : i32
      %cond3A_81 = arith.cmpi ne, %convert_element_type3A, %cond3A : i32
      scf.if %cond3A_81 {
        %add3A_105 = arith.constant 2 : i32
        %add3A_106 = arith.addi %mul3A_42, %add3A_105 : i32
        %mul3A_107 = arith.constant 8 : i32
        %mul3A_108 = arith.muli %add3A_106, %mul3A_107 : i32
        %add3A_109 = arith.addi %mul3A_2, %mul3A_108 : i32
        %dma_start3A_110 = arith.constant 0 : i32
        %dma_start3A_111 = arith.constant 0 : i32
        %dma_start3A_112 = tpu.memref_slice %arg7[%scan3A_32, %dma_start3A_110, %dma_start3A_111] : memref<2x8x4096xf32, #tpu.memory_space<vmem>> -> memref<1x8x4096xf32, #tpu.memory_space<vmem>>
        %dma_start3A_113 = tpu.memref_squeeze %dma_start3A_112 : memref<1x8x4096xf32, #tpu.memory_space<vmem>> -> memref<8x4096xf32, #tpu.memory_space<vmem>>
        %dma_start3A_114 = arith.constant 0 : i32
        %dma_start3A_115 = tpu.memref_slice %arg2[%add3A_109, %dma_start3A_114] : memref<4096x4096xf32, #tpu.memory_space<hbm>> -> memref<8x4096xf32, #tpu.memory_space<hbm>>
        %dma_start3A_116 = arith.constant 0 : i32
        %dma_start3A_117 = arith.constant 0 : i32
        %dma_start3A_118 = tpu.memref_slice %arg7[%scan3A_32, %dma_start3A_116, %dma_start3A_117] : memref<2x8x4096xf32, #tpu.memory_space<vmem>> -> memref<1x8x4096xf32, #tpu.memory_space<vmem>>
        %dma_start3A_119 = tpu.memref_squeeze %dma_start3A_118 : memref<1x8x4096xf32, #tpu.memory_space<vmem>> -> memref<8x4096xf32, #tpu.memory_space<vmem>>
        %dma_start3A_120 = arith.constant 0 : i32
        %dma_start3A_121 = tpu.memref_slice %arg2[%add3A_109, %dma_start3A_120] : memref<4096x4096xf32, #tpu.memory_space<hbm>> -> memref<8x4096xf32, #tpu.memory_space<hbm>>
        tpu.enqueue_dma source(%dma_start3A_121 : memref<8x4096xf32, #tpu.memory_space<hbm>>) target(%dma_start3A_119 : memref<8x4096xf32, #tpu.memory_space<vmem>>) target_semaphore(%arg9 : memref<!tpu.dma_semaphore, #tpu.memory_space<semaphore_mem>>)
      } else {
      }
      %add3A_82 = arith.constant 1 : i32
      %add3A_83 = arith.addi %mul3A_42, %add3A_82 : i32
      %mul3A_84 = arith.constant 8 : i32
      %mul3A_85 = arith.muli %add3A_83, %mul3A_84 : i32
      %add3A_86 = arith.addi %mul3A_2, %mul3A_85 : i32
      %dma_wait3A_87 = arith.constant 0 : i32
      %dma_wait3A_88 = arith.constant 0 : i32
      %dma_wait3A_89 = tpu.memref_slice %arg7[%scan3A_31, %dma_wait3A_87, %dma_wait3A_88] : memref<2x8x4096xf32, #tpu.memory_space<vmem>> -> memref<1x8x4096xf32, #tpu.memory_space<vmem>>
      %dma_wait3A_90 = tpu.memref_squeeze %dma_wait3A_89 : memref<1x8x4096xf32, #tpu.memory_space<vmem>> -> memref<8x4096xf32, #tpu.memory_space<vmem>>
      %dma_wait3A_91 = arith.constant 0 : i32
      %dma_wait3A_92 = tpu.memref_slice %arg2[%add3A_86, %dma_wait3A_91] : memref<4096x4096xf32, #tpu.memory_space<hbm>> -> memref<8x4096xf32, #tpu.memory_space<hbm>>
      %dma_wait3A_93 = arith.constant 0 : i32
      %dma_wait3A_94 = arith.constant 0 : i32
      %dma_wait3A_95 = tpu.memref_slice %arg7[%scan3A_31, %dma_wait3A_93, %dma_wait3A_94] : memref<2x8x4096xf32, #tpu.memory_space<vmem>> -> memref<1x8x4096xf32, #tpu.memory_space<vmem>>
      %dma_wait3A_96 = tpu.memref_squeeze %dma_wait3A_95 : memref<1x8x4096xf32, #tpu.memory_space<vmem>> -> memref<8x4096xf32, #tpu.memory_space<vmem>>
      %dma_wait3A_97 = arith.constant 0 : i32
      %dma_wait3A_98 = tpu.memref_slice %arg2[%add3A_86, %dma_wait3A_97] : memref<4096x4096xf32, #tpu.memory_space<hbm>> -> memref<8x4096xf32, #tpu.memory_space<hbm>>
      tpu.wait_dma2 semaphore(%arg10 : memref<!tpu.dma_semaphore, #tpu.memory_space<semaphore_mem>>) src(%dma_wait3A_98 : memref<8x4096xf32, #tpu.memory_space<hbm>>) dst(%dma_wait3A_96 : memref<8x4096xf32, #tpu.memory_space<vmem>>)
      %scan3A_99 = arith.constant 0 : i32
      %scan3A_100 = arith.constant 0 : i32
      %scan3A_101 = arith.constant 256 : i32
      %scan3A_102 = arith.addi %scan3A_100, %scan3A_101 : i32
      %scan3A_103 = arith.constant 1 : i32
      scf.for %scan3A_105 = %scan3A_100 to %scan3A_102 step %scan3A_103  : i32 {
        %mul3A_106 = arith.constant 16 : i32
        %mul3A_107 = arith.muli %scan3A_105, %mul3A_106 : i32
        %get3A = arith.index_cast %mul3A_107 : i32 to index
        %get3A_108 = tpu.vector_load %arg5[%get3A] {strides = array<i32>} : memref<4112xi32, #tpu.memory_space<vmem>>, vector<16xi32>,
        %mul3A_109 = arith.constant 16 : i32
        %mul3A_110 = arith.muli %scan3A_105, %mul3A_109 : i32
        %get3A_111 = arith.index_cast %mul3A_110 : i32 to index
        %get3A_112 = tpu.vector_load %arg6[%get3A_111] {strides = array<i32>} : memref<4096xi32, #tpu.memory_space<vmem>>, vector<16xi32>,
        %ne3A = arith.cmpi ne, %get3A_108, %get3A_112 : vector<16xi32>
        %or3A = arith.ori %ne3A, %eq3A_4 : vector<16xi1>
        %not3A = arith.constant dense<true> : vector<16xi1>
        %not3A_113 = arith.xori %eq3A_4, %not3A : vector<16xi1>
        %and3A = arith.andi %ne3A, %not3A_113 : vector<16xi1>
        %mul3A_114 = arith.constant 16 : i32
        %mul3A_115 = arith.muli %scan3A_105, %mul3A_114 : i32
        %get3A_116 = arith.constant 0 : i32
        %get3A_117 = arith.constant 0 : i32
        %get3A_118 = arith.constant 0 : i32
        %get3A_119 = tpu.memref_slice %arg7[%scan3A_31, %get3A_117, %get3A_118] : memref<2x8x4096xf32, #tpu.memory_space<vmem>> -> memref<1x8x4096xf32, #tpu.memory_space<vmem>>
        %get3A_120 = tpu.memref_squeeze %get3A_119 : memref<1x8x4096xf32, #tpu.memory_space<vmem>> -> memref<8x4096xf32, #tpu.memory_space<vmem>>
        %get3A_121 = arith.index_cast %get3A_116 : i32 to index
        %get3A_122 = arith.index_cast %mul3A_115 : i32 to index
        %get3A_123 = tpu.vector_load %get3A_120[%get3A_121, %get3A_122] {strides = array<i32>} : memref<8x4096xf32, #tpu.memory_space<vmem>>, vector<16xf32>,
        %broadcast_in_dim3A = arith.constant true
        %broadcast_in_dim3A_124 = vector.broadcast %broadcast_in_dim3A : i1 to vector<16xi1>
        %masked_cumsum3A = tpu.scan <sum>, %get3A_123 masked %broadcast_in_dim3A_124 : vector<16xf32>, vector<16xi1> -> vector<16xf32>
        %mul3A_125 = arith.constant 16 : i32
        %mul3A_126 = arith.muli %scan3A_105, %mul3A_125 : i32
        %get3A_127 = arith.constant 1 : i32
        %get3A_128 = arith.constant 0 : i32
        %get3A_129 = arith.constant 0 : i32
        %get3A_130 = tpu.memref_slice %arg7[%scan3A_31, %get3A_128, %get3A_129] : memref<2x8x4096xf32, #tpu.memory_space<vmem>> -> memref<1x8x4096xf32, #tpu.memory_space<vmem>>
        %get3A_131 = tpu.memref_squeeze %get3A_130 : memref<1x8x4096xf32, #tpu.memory_space<vmem>> -> memref<8x4096xf32, #tpu.memory_space<vmem>>
        %get3A_132 = arith.index_cast %get3A_127 : i32 to index
        %get3A_133 = arith.index_cast %mul3A_126 : i32 to index
        %get3A_134 = tpu.vector_load %get3A_131[%get3A_132, %get3A_133] {strides = array<i32>} : memref<8x4096xf32, #tpu.memory_space<vmem>>, vector<16xf32>,
        %broadcast_in_dim3A_135 = arith.constant true
        %broadcast_in_dim3A_136 = vector.broadcast %broadcast_in_dim3A_135 : i1 to vector<16xi1>
        %masked_cumsum3A_137 = tpu.scan <sum>, %get3A_134 masked %broadcast_in_dim3A_136 : vector<16xf32>, vector<16xi1> -> vector<16xf32>
        %mul3A_138 = arith.constant 16 : i32
        %mul3A_139 = arith.muli %scan3A_105, %mul3A_138 : i32
        %get3A_140 = arith.constant 2 : i32
        %get3A_141 = arith.constant 0 : i32
        %get3A_142 = arith.constant 0 : i32
        %get3A_143 = tpu.memref_slice %arg7[%scan3A_31, %get3A_141, %get3A_142] : memref<2x8x4096xf32, #tpu.memory_space<vmem>> -> memref<1x8x4096xf32, #tpu.memory_space<vmem>>
        %get3A_144 = tpu.memref_squeeze %get3A_143 : memref<1x8x4096xf32, #tpu.memory_space<vmem>> -> memref<8x4096xf32, #tpu.memory_space<vmem>>
        %get3A_145 = arith.index_cast %get3A_140 : i32 to index
        %get3A_146 = arith.index_cast %mul3A_139 : i32 to index
        %get3A_147 = tpu.vector_load %get3A_144[%get3A_145, %get3A_146] {strides = array<i32>} : memref<8x4096xf32, #tpu.memory_space<vmem>>, vector<16xf32>,
        %broadcast_in_dim3A_148 = arith.constant true
        %broadcast_in_dim3A_149 = vector.broadcast %broadcast_in_dim3A_148 : i1 to vector<16xi1>
        %masked_cumsum3A_150 = tpu.scan <sum>, %get3A_147 masked %broadcast_in_dim3A_149 : vector<16xf32>, vector<16xi1> -> vector<16xf32>
        %mul3A_151 = arith.constant 16 : i32
        %mul3A_152 = arith.muli %scan3A_105, %mul3A_151 : i32
        %get3A_153 = arith.constant 3 : i32
        %get3A_154 = arith.constant 0 : i32
        %get3A_155 = arith.constant 0 : i32
        %get3A_156 = tpu.memref_slice %arg7[%scan3A_31, %get3A_154, %get3A_155] : memref<2x8x4096xf32, #tpu.memory_space<vmem>> -> memref<1x8x4096xf32, #tpu.memory_space<vmem>>
        %get3A_157 = tpu.memref_squeeze %get3A_156 : memref<1x8x4096xf32, #tpu.memory_space<vmem>> -> memref<8x4096xf32, #tpu.memory_space<vmem>>
        %get3A_158 = arith.index_cast %get3A_153 : i32 to index
        %get3A_159 = arith.index_cast %mul3A_152 : i32 to index
        %get3A_160 = tpu.vector_load %get3A_157[%get3A_158, %get3A_159] {strides = array<i32>} : memref<8x4096xf32, #tpu.memory_space<vmem>>, vector<16xf32>,
        %broadcast_in_dim3A_161 = arith.constant true
        %broadcast_in_dim3A_162 = vector.broadcast %broadcast_in_dim3A_161 : i1 to vector<16xi1>
        %masked_cumsum3A_163 = tpu.scan <sum>, %get3A_160 masked %broadcast_in_dim3A_162 : vector<16xf32>, vector<16xi1> -> vector<16xf32>
        %mul3A_164 = arith.constant 16 : i32
        %mul3A_165 = arith.muli %scan3A_105, %mul3A_164 : i32
        %get3A_166 = arith.constant 4 : i32
        %get3A_167 = arith.constant 0 : i32
        %get3A_168 = arith.constant 0 : i32
        %get3A_169 = tpu.memref_slice %arg7[%scan3A_31, %get3A_167, %get3A_168] : memref<2x8x4096xf32, #tpu.memory_space<vmem>> -> memref<1x8x4096xf32, #tpu.memory_space<vmem>>
        %get3A_170 = tpu.memref_squeeze %get3A_169 : memref<1x8x4096xf32, #tpu.memory_space<vmem>> -> memref<8x4096xf32, #tpu.memory_space<vmem>>
        %get3A_171 = arith.index_cast %get3A_166 : i32 to index
        %get3A_172 = arith.index_cast %mul3A_165 : i32 to index
        %get3A_173 = tpu.vector_load %get3A_170[%get3A_171, %get3A_172] {strides = array<i32>} : memref<8x4096xf32, #tpu.memory_space<vmem>>, vector<16xf32>,
        %broadcast_in_dim3A_174 = arith.constant true
        %broadcast_in_dim3A_175 = vector.broadcast %broadcast_in_dim3A_174 : i1 to vector<16xi1>
        %masked_cumsum3A_176 = tpu.scan <sum>, %get3A_173 masked %broadcast_in_dim3A_175 : vector<16xf32>, vector<16xi1> -> vector<16xf32>
        %mul3A_177 = arith.constant 16 : i32
        %mul3A_178 = arith.muli %scan3A_105, %mul3A_177 : i32
        %get3A_179 = arith.constant 5 : i32
        %get3A_180 = arith.constant 0 : i32
        %get3A_181 = arith.constant 0 : i32
        %get3A_182 = tpu.memref_slice %arg7[%scan3A_31, %get3A_180, %get3A_181] : memref<2x8x4096xf32, #tpu.memory_space<vmem>> -> memref<1x8x4096xf32, #tpu.memory_space<vmem>>
        %get3A_183 = tpu.memref_squeeze %get3A_182 : memref<1x8x4096xf32, #tpu.memory_space<vmem>> -> memref<8x4096xf32, #tpu.memory_space<vmem>>
        %get3A_184 = arith.index_cast %get3A_179 : i32 to index
        %get3A_185 = arith.index_cast %mul3A_178 : i32 to index
        %get3A_186 = tpu.vector_load %get3A_183[%get3A_184, %get3A_185] {strides = array<i32>} : memref<8x4096xf32, #tpu.memory_space<vmem>>, vector<16xf32>,
        %broadcast_in_dim3A_187 = arith.constant true
        %broadcast_in_dim3A_188 = vector.broadcast %broadcast_in_dim3A_187 : i1 to vector<16xi1>
        %masked_cumsum3A_189 = tpu.scan <sum>, %get3A_186 masked %broadcast_in_dim3A_188 : vector<16xf32>, vector<16xi1> -> vector<16xf32>
        %mul3A_190 = arith.constant 16 : i32
        %mul3A_191 = arith.muli %scan3A_105, %mul3A_190 : i32
        %get3A_192 = arith.constant 6 : i32
        %get3A_193 = arith.constant 0 : i32
        %get3A_194 = arith.constant 0 : i32
        %get3A_195 = tpu.memref_slice %arg7[%scan3A_31, %get3A_193, %get3A_194] : memref<2x8x4096xf32, #tpu.memory_space<vmem>> -> memref<1x8x4096xf32, #tpu.memory_space<vmem>>
        %get3A_196 = tpu.memref_squeeze %get3A_195 : memref<1x8x4096xf32, #tpu.memory_space<vmem>> -> memref<8x4096xf32, #tpu.memory_space<vmem>>
        %get3A_197 = arith.index_cast %get3A_192 : i32 to index
        %get3A_198 = arith.index_cast %mul3A_191 : i32 to index
        %get3A_199 = tpu.vector_load %get3A_196[%get3A_197, %get3A_198] {strides = array<i32>} : memref<8x4096xf32, #tpu.memory_space<vmem>>, vector<16xf32>,
        %broadcast_in_dim3A_200 = arith.constant true
        %broadcast_in_dim3A_201 = vector.broadcast %broadcast_in_dim3A_200 : i1 to vector<16xi1>
        %masked_cumsum3A_202 = tpu.scan <sum>, %get3A_199 masked %broadcast_in_dim3A_201 : vector<16xf32>, vector<16xi1> -> vector<16xf32>
        %mul3A_203 = arith.constant 16 : i32
        %mul3A_204 = arith.muli %scan3A_105, %mul3A_203 : i32
        %get3A_205 = arith.constant 7 : i32
        %get3A_206 = arith.constant 0 : i32
        %get3A_207 = arith.constant 0 : i32
        %get3A_208 = tpu.memref_slice %arg7[%scan3A_31, %get3A_206, %get3A_207] : memref<2x8x4096xf32, #tpu.memory_space<vmem>> -> memref<1x8x4096xf32, #tpu.memory_space<vmem>>
        %get3A_209 = tpu.memref_squeeze %get3A_208 : memref<1x8x4096xf32, #tpu.memory_space<vmem>> -> memref<8x4096xf32, #tpu.memory_space<vmem>>
        %get3A_210 = arith.index_cast %get3A_205 : i32 to index
        %get3A_211 = arith.index_cast %mul3A_204 : i32 to index
        %get3A_212 = tpu.vector_load %get3A_209[%get3A_210, %get3A_211] {strides = array<i32>} : memref<8x4096xf32, #tpu.memory_space<vmem>>, vector<16xf32>,
        %broadcast_in_dim3A_213 = arith.constant true
        %broadcast_in_dim3A_214 = vector.broadcast %broadcast_in_dim3A_213 : i1 to vector<16xi1>
        %masked_cumsum3A_215 = tpu.scan <sum>, %get3A_212 masked %broadcast_in_dim3A_214 : vector<16xf32>, vector<16xi1> -> vector<16xf32>
        %mul3A_216 = arith.constant 8 : i32
        %mul3A_217 = arith.muli %add3A_83, %mul3A_216 : i32
        %add3A_218 = arith.constant 0 : i32
        %add3A_219 = arith.addi %mul3A_217, %add3A_218 : i32
        %mul3A_220 = arith.constant 256 : i32
        %mul3A_221 = arith.muli %add3A_219, %mul3A_220 : i32
        %scatter3A = tpu.memref_slice %arg8[%mul3A_221] : memref<32768xf32, #tpu.memory_space<vmem>> -> memref<256xf32, #tpu.memory_space<vmem>>
        tpu.vector_store_idx %scatter3A[%get3A_108], %masked_cumsum3A masked %or3A {add = true} : memref<256xf32, #tpu.memory_space<vmem>>[vector<16xi32>], vector<16xf32>, vector<16xi1>
        %neg3A = arith.constant 0.000000e+00 : f32
        %neg3A_222 = vector.broadcast %neg3A : f32 to vector<16xf32>
        %neg3A_223 = arith.subf %neg3A_222, %masked_cumsum3A : vector<16xf32>
        %scatter3A_224 = tpu.memref_slice %arg8[%mul3A_221] : memref<32768xf32, #tpu.memory_space<vmem>> -> memref<256xf32, #tpu.memory_space<vmem>>
        tpu.vector_store_idx %scatter3A_224[%get3A_112], %neg3A_223 masked %and3A {add = true} : memref<256xf32, #tpu.memory_space<vmem>>[vector<16xi32>], vector<16xf32>, vector<16xi1>
        %mul3A_225 = arith.constant 8 : i32
        %mul3A_226 = arith.muli %add3A_83, %mul3A_225 : i32
        %add3A_227 = arith.constant 1 : i32
        %add3A_228 = arith.addi %mul3A_226, %add3A_227 : i32
        %mul3A_229 = arith.constant 256 : i32
        %mul3A_230 = arith.muli %add3A_228, %mul3A_229 : i32
        %scatter3A_231 = tpu.memref_slice %arg8[%mul3A_230] : memref<32768xf32, #tpu.memory_space<vmem>> -> memref<256xf32, #tpu.memory_space<vmem>>
        tpu.vector_store_idx %scatter3A_231[%get3A_108], %masked_cumsum3A_137 masked %or3A {add = true} : memref<256xf32, #tpu.memory_space<vmem>>[vector<16xi32>], vector<16xf32>, vector<16xi1>
        %neg3A_232 = arith.constant 0.000000e+00 : f32
        %neg3A_233 = vector.broadcast %neg3A_232 : f32 to vector<16xf32>
        %neg3A_234 = arith.subf %neg3A_233, %masked_cumsum3A_137 : vector<16xf32>
        %scatter3A_235 = tpu.memref_slice %arg8[%mul3A_230] : memref<32768xf32, #tpu.memory_space<vmem>> -> memref<256xf32, #tpu.memory_space<vmem>>
        tpu.vector_store_idx %scatter3A_235[%get3A_112], %neg3A_234 masked %and3A {add = true} : memref<256xf32, #tpu.memory_space<vmem>>[vector<16xi32>], vector<16xf32>, vector<16xi1>
        %mul3A_236 = arith.constant 8 : i32
        %mul3A_237 = arith.muli %add3A_83, %mul3A_236 : i32
        %add3A_238 = arith.constant 2 : i32
        %add3A_239 = arith.addi %mul3A_237, %add3A_238 : i32
        %mul3A_240 = arith.constant 256 : i32
        %mul3A_241 = arith.muli %add3A_239, %mul3A_240 : i32
        %scatter3A_242 = tpu.memref_slice %arg8[%mul3A_241] : memref<32768xf32, #tpu.memory_space<vmem>> -> memref<256xf32, #tpu.memory_space<vmem>>
        tpu.vector_store_idx %scatter3A_242[%get3A_108], %masked_cumsum3A_150 masked %or3A {add = true} : memref<256xf32, #tpu.memory_space<vmem>>[vector<16xi32>], vector<16xf32>, vector<16xi1>
        %neg3A_243 = arith.constant 0.000000e+00 : f32
        %neg3A_244 = vector.broadcast %neg3A_243 : f32 to vector<16xf32>
        %neg3A_245 = arith.subf %neg3A_244, %masked_cumsum3A_150 : vector<16xf32>
        %scatter3A_246 = tpu.memref_slice %arg8[%mul3A_241] : memref<32768xf32, #tpu.memory_space<vmem>> -> memref<256xf32, #tpu.memory_space<vmem>>
        tpu.vector_store_idx %scatter3A_246[%get3A_112], %neg3A_245 masked %and3A {add = true} : memref<256xf32, #tpu.memory_space<vmem>>[vector<16xi32>], vector<16xf32>, vector<16xi1>
        %mul3A_247 = arith.constant 8 : i32
        %mul3A_248 = arith.muli %add3A_83, %mul3A_247 : i32
        %add3A_249 = arith.constant 3 : i32
        %add3A_250 = arith.addi %mul3A_248, %add3A_249 : i32
        %mul3A_251 = arith.constant 256 : i32
        %mul3A_252 = arith.muli %add3A_250, %mul3A_251 : i32
        %scatter3A_253 = tpu.memref_slice %arg8[%mul3A_252] : memref<32768xf32, #tpu.memory_space<vmem>> -> memref<256xf32, #tpu.memory_space<vmem>>
        tpu.vector_store_idx %scatter3A_253[%get3A_108], %masked_cumsum3A_163 masked %or3A {add = true} : memref<256xf32, #tpu.memory_space<vmem>>[vector<16xi32>], vector<16xf32>, vector<16xi1>
        %neg3A_254 = arith.constant 0.000000e+00 : f32
        %neg3A_255 = vector.broadcast %neg3A_254 : f32 to vector<16xf32>
        %neg3A_256 = arith.subf %neg3A_255, %masked_cumsum3A_163 : vector<16xf32>
        %scatter3A_257 = tpu.memref_slice %arg8[%mul3A_252] : memref<32768xf32, #tpu.memory_space<vmem>> -> memref<256xf32, #tpu.memory_space<vmem>>
        tpu.vector_store_idx %scatter3A_257[%get3A_112], %neg3A_256 masked %and3A {add = true} : memref<256xf32, #tpu.memory_space<vmem>>[vector<16xi32>], vector<16xf32>, vector<16xi1>
        %mul3A_258 = arith.constant 8 : i32
        %mul3A_259 = arith.muli %add3A_83, %mul3A_258 : i32
        %add3A_260 = arith.constant 4 : i32
        %add3A_261 = arith.addi %mul3A_259, %add3A_260 : i32
        %mul3A_262 = arith.constant 256 : i32
        %mul3A_263 = arith.muli %add3A_261, %mul3A_262 : i32
        %scatter3A_264 = tpu.memref_slice %arg8[%mul3A_263] : memref<32768xf32, #tpu.memory_space<vmem>> -> memref<256xf32, #tpu.memory_space<vmem>>
        tpu.vector_store_idx %scatter3A_264[%get3A_108], %masked_cumsum3A_176 masked %or3A {add = true} : memref<256xf32, #tpu.memory_space<vmem>>[vector<16xi32>], vector<16xf32>, vector<16xi1>
        %neg3A_265 = arith.constant 0.000000e+00 : f32
        %neg3A_266 = vector.broadcast %neg3A_265 : f32 to vector<16xf32>
        %neg3A_267 = arith.subf %neg3A_266, %masked_cumsum3A_176 : vector<16xf32>
        %scatter3A_268 = tpu.memref_slice %arg8[%mul3A_263] : memref<32768xf32, #tpu.memory_space<vmem>> -> memref<256xf32, #tpu.memory_space<vmem>>
        tpu.vector_store_idx %scatter3A_268[%get3A_112], %neg3A_267 masked %and3A {add = true} : memref<256xf32, #tpu.memory_space<vmem>>[vector<16xi32>], vector<16xf32>, vector<16xi1>
        %mul3A_269 = arith.constant 8 : i32
        %mul3A_270 = arith.muli %add3A_83, %mul3A_269 : i32
        %add3A_271 = arith.constant 5 : i32
        %add3A_272 = arith.addi %mul3A_270, %add3A_271 : i32
        %mul3A_273 = arith.constant 256 : i32
        %mul3A_274 = arith.muli %add3A_272, %mul3A_273 : i32
        %scatter3A_275 = tpu.memref_slice %arg8[%mul3A_274] : memref<32768xf32, #tpu.memory_space<vmem>> -> memref<256xf32, #tpu.memory_space<vmem>>
        tpu.vector_store_idx %scatter3A_275[%get3A_108], %masked_cumsum3A_189 masked %or3A {add = true} : memref<256xf32, #tpu.memory_space<vmem>>[vector<16xi32>], vector<16xf32>, vector<16xi1>
        %neg3A_276 = arith.constant 0.000000e+00 : f32
        %neg3A_277 = vector.broadcast %neg3A_276 : f32 to vector<16xf32>
        %neg3A_278 = arith.subf %neg3A_277, %masked_cumsum3A_189 : vector<16xf32>
        %scatter3A_279 = tpu.memref_slice %arg8[%mul3A_274] : memref<32768xf32, #tpu.memory_space<vmem>> -> memref<256xf32, #tpu.memory_space<vmem>>
        tpu.vector_store_idx %scatter3A_279[%get3A_112], %neg3A_278 masked %and3A {add = true} : memref<256xf32, #tpu.memory_space<vmem>>[vector<16xi32>], vector<16xf32>, vector<16xi1>
        %mul3A_280 = arith.constant 8 : i32
        %mul3A_281 = arith.muli %add3A_83, %mul3A_280 : i32
        %add3A_282 = arith.constant 6 : i32
        %add3A_283 = arith.addi %mul3A_281, %add3A_282 : i32
        %mul3A_284 = arith.constant 256 : i32
        %mul3A_285 = arith.muli %add3A_283, %mul3A_284 : i32
        %scatter3A_286 = tpu.memref_slice %arg8[%mul3A_285] : memref<32768xf32, #tpu.memory_space<vmem>> -> memref<256xf32, #tpu.memory_space<vmem>>
        tpu.vector_store_idx %scatter3A_286[%get3A_108], %masked_cumsum3A_202 masked %or3A {add = true} : memref<256xf32, #tpu.memory_space<vmem>>[vector<16xi32>], vector<16xf32>, vector<16xi1>
        %neg3A_287 = arith.constant 0.000000e+00 : f32
        %neg3A_288 = vector.broadcast %neg3A_287 : f32 to vector<16xf32>
        %neg3A_289 = arith.subf %neg3A_288, %masked_cumsum3A_202 : vector<16xf32>
        %scatter3A_290 = tpu.memref_slice %arg8[%mul3A_285] : memref<32768xf32, #tpu.memory_space<vmem>> -> memref<256xf32, #tpu.memory_space<vmem>>
        tpu.vector_store_idx %scatter3A_290[%get3A_112], %neg3A_289 masked %and3A {add = true} : memref<256xf32, #tpu.memory_space<vmem>>[vector<16xi32>], vector<16xf32>, vector<16xi1>
        %mul3A_291 = arith.constant 8 : i32
        %mul3A_292 = arith.muli %add3A_83, %mul3A_291 : i32
        %add3A_293 = arith.constant 7 : i32
        %add3A_294 = arith.addi %mul3A_292, %add3A_293 : i32
        %mul3A_295 = arith.constant 256 : i32
        %mul3A_296 = arith.muli %add3A_294, %mul3A_295 : i32
        %scatter3A_297 = tpu.memref_slice %arg8[%mul3A_296] : memref<32768xf32, #tpu.memory_space<vmem>> -> memref<256xf32, #tpu.memory_space<vmem>>
        tpu.vector_store_idx %scatter3A_297[%get3A_108], %masked_cumsum3A_215 masked %or3A {add = true} : memref<256xf32, #tpu.memory_space<vmem>>[vector<16xi32>], vector<16xf32>, vector<16xi1>
        %neg3A_298 = arith.constant 0.000000e+00 : f32
        %neg3A_299 = vector.broadcast %neg3A_298 : f32 to vector<16xf32>
        %neg3A_300 = arith.subf %neg3A_299, %masked_cumsum3A_215 : vector<16xf32>
        %scatter3A_301 = tpu.memref_slice %arg8[%mul3A_296] : memref<32768xf32, #tpu.memory_space<vmem>> -> memref<256xf32, #tpu.memory_space<vmem>>
        tpu.vector_store_idx %scatter3A_301[%get3A_112], %neg3A_300 masked %and3A {add = true} : memref<256xf32, #tpu.memory_space<vmem>>[vector<16xi32>], vector<16xf32>, vector<16xi1>
      }
      %scan3A_104 = arith.constant 256 : i32
    }
    %scan3A_37 = arith.constant 8 : i32
    %mul3A_38 = arith.constant 256 : i32
    %mul3A_39 = arith.muli %mul3A_2, %mul3A_38 : i32
    "tpu.region"() ({
      %run_scoped3A = tpu.sem_alloc : memref<!tpu.dma_semaphore, #tpu.memory_space<semaphore_mem>>
      %dma_start3A_40 = tpu.memref_slice %arg4[%mul3A_39] : memref<1048576xf32, #tpu.memory_space<hbm>> -> memref<32768xf32, #tpu.memory_space<hbm>>
      %dma_start3A_41 = tpu.memref_slice %arg4[%mul3A_39] : memref<1048576xf32, #tpu.memory_space<hbm>> -> memref<32768xf32, #tpu.memory_space<hbm>>
      tpu.enqueue_dma source(%arg8 : memref<32768xf32, #tpu.memory_space<vmem>>) target(%dma_start3A_41 : memref<32768xf32, #tpu.memory_space<hbm>>) target_semaphore(%run_scoped3A : memref<!tpu.dma_semaphore, #tpu.memory_space<semaphore_mem>>)
      %dma_wait3A = tpu.memref_slice %arg4[%mul3A_39] : memref<1048576xf32, #tpu.memory_space<hbm>> -> memref<32768xf32, #tpu.memory_space<hbm>>
      %dma_wait3A_42 = tpu.memref_slice %arg4[%mul3A_39] : memref<1048576xf32, #tpu.memory_space<hbm>> -> memref<32768xf32, #tpu.memory_space<hbm>>
      tpu.wait_dma2 semaphore(%run_scoped3A : memref<!tpu.dma_semaphore, #tpu.memory_space<semaphore_mem>>) src(%arg8 : memref<32768xf32, #tpu.memory_space<vmem>>) dst(%dma_wait3A_42 : memref<32768xf32, #tpu.memory_space<hbm>>)
      tpu.yield
    }) : () -> ()
    return
  }
}

</mosaic_0001>

<sc_bundles>
// kernel: kernel.3.cloned.1.call-start
scs
__scs_entry_jumppad:
0x0: {  	(pc) =	sbr.rel $0x88, $3  }
0x1: {  	(tag) =	ssettag $0x0;
	lr =	simm.s32 $0x1  }
0x2: {  	[smem:$0x3F9F] =	sst lr;
	_ =	strace $0xD0000000  }
0x3: {  	_ = 	snop  }
0x4: {  	_ = 	snop  }
0x5: {  	_ = 	snop  }
0x6: {  	_ = 	snop  }
0x7: {  	_ = 	snop  }
__scs_overlays_trampoline_lowered:
0x8: {  	[smem:$0x3FAE] =	sst s0  }
0x9: {  	[smem:$0x3FAF] =	sst s1  }
0xa: {  	[smem:$0x3FB0] =	sst s2  }
0xb: {  	[smem:$0x3FB1] =	sst s3  }
0xc: {  	[smem:$0x3FB2] =	sst s4  }
0xd: {  	[smem:$0x3FB3] =	sst s5  }
0xe: {  	[smem:$0x3FB4] =	sst s6  }
0xf: {  	[smem:$0x3FB5] =	sst s7  }
0x10: {  	[smem:$0x3FB6] =	sst s8  }
0x11: {  	[smem:$0x3FB7] =	sst s9;
	s0 =	simm.s32 @!p0 $0x0  }
0x12: {  	s1 =	sld [smem:$0x3F9D];
	s0 =	simm.s32 @p0 $0x1  }
0x13: {  	[smem:$0x3FB8] =	sst s0;
	s0 =	simm.s32 @!p1 $0x0  }
0x14: {  	s2 =	sld [smem:$0x3F9C];
	s0 =	simm.s32 @p1 $0x1  }
0x15: {  	[smem:$0x3FB9] =	sst s0;
	s0 =	simm.s32 @!p2 $0x0  }
0x16: {  	s3 =	sld [smem:$0x3FDB];
	s0 =	simm.s32 @p2 $0x1  }
0x17: {  	s4 =	simm.s32 $0x1BF5;
	[smem:$0x3FBB] =	sst s0  }
0x18: {  	s0 =	sld [smem:$0x3F9E];
	_ =	swait.ge [sflag:s4], $0x0  }
0x19: {  	s7 =	sld [smem:$0x3F9F]  }
0x1a: {  	s8 =	sadd.s32 $0xFFFFE003, lr  }
0x1b: {  	s9 =	sadd.s32 $0xFFFFFEF7, lr;
	s5 =	simm.s32 $0xFFFFFFFF;
	p2 =	slt.u32 s8, $0xFFFFF086  }
0x1c: {  	p1 =	slt.u32 s9, $0xF7A;
	s5 =	simm.s32 @!p2 $0x0  }
0x1d: {  	s5 =	simm.s32 @p1 $0x1;
	p0 =	seq.s32 s7, s2  }
0x1e: {  	s7 =	smul.u32 @!p0 $0xF7A, s2;
	p2 =	seq.s32 @!p0 s5, $0x0  }
0x1f: {  	s9 =	smul.u32 $0xF7A, s1;
	s8 =	simm.s32 @!p0 $0x1BF5;
	p2 =	por !p2, p0  }
0x20: {  	[sflag:s8] =	ssyncset.s32 @!p0 $0xFFFFF086;
	s6 =	sadd.s32 @!p0 s3, s7;
	s7 =	simm.s32 @!p0 $0x108  }
0x21: {  	s3 =	sadd.s32 s3, s9;
	s6 =	sadd.s32 @!p0 $0x88, s6;
	s7 =	simm.s32 @p2 $0x1082  }
0x22: {  	[simem:s7], [sflag:s8] =	dma.local @!p0 [hbm:s6], $0xF7A  }
0x23: {  	s9 =	sor.u32 $0xD0000000, s2;
	s6 =	simm.s32 $0x108;
	_ =	swait.ge @!p0 [sflag:s8], $0x0  }
0x24: {  	s3 =	sadd.s32 $0x88, s3;
	s6 =	simm.s32 @!p1 $0x1082;
	[sflag:s4] =	ssyncset.s32 $0xFFFFF086  }
0x25: {  	[simem:s6], [sflag:s4] =	dma.local [hbm:s3], $0xF7A  }
0x26: {  	[smem:$0x3F9F] =	sst s1;
	(tag) =	ssettag s2;
	_ =	strace s9  }
0x27: {  	s1 =	sld [smem:$0x3FAF]  }
0x28: {  	s2 =	sld [smem:$0x3FB0]  }
0x29: {  	s4 =	sld [smem:$0x3FB2]  }
0x2a: {  	p0 =	seq.s32 s5, $0x0;
	s5 =	sld [smem:$0x3FB3]  }
0x2b: {  	s6 =	sld [smem:$0x3FB4]  }
0x2c: {  	s7 =	sld [smem:$0x3FB5]  }
0x2d: {  	s3 =	simm.s32 $0x108;
	s8 =	sld [smem:$0x3FB6]  }
0x2e: {  	s3 =	simm.s32 @!p0 $0x1082;
	s9 =	sld [smem:$0x3FB7]  }
0x2f: {  	lr =	sadd.s32 s0, s3;
	s0 =	sld [smem:$0x3FAE]  }
0x30: {  	s3 =	sld [smem:$0x3FB1]  }
0x31: {  	[smem:$0x3FBA] =	sst s10  }
0x32: {  	s10 =	sld [smem:$0x3FB8];
	_ =	sdelay $0x3  }
0x33: {  	p0 =	seq.s32 s10, $0x1;
	s10 =	sld [smem:$0x3FBA];
	_ =	sdelay $0x3  }
0x34: {  	[smem:$0x3FBA] =	sst s10  }
0x35: {  	s10 =	sld [smem:$0x3FB9];
	_ =	sdelay $0x3  }
0x36: {  	p1 =	seq.s32 s10, $0x1;
	s10 =	sld [smem:$0x3FBA];
	_ =	sdelay $0x3  }
0x37: {  	[smem:$0x3FBA] =	sst s10  }
0x38: {  	s10 =	sld [smem:$0x3FBB]  }
0x39: {  	_ = 	snop;
	(pc) =	sbr.ind lr, $3  }
0x3a: {  	_ = 	snop  }
0x3b: {  	_ = 	snop  }
0x3c: {  	p2 =	seq.s32 s10, $0x1;
	s10 =	sld [smem:$0x3FBA]  }
0x3d: {  	_ =	shalt  }
0x3e: {  	_ =	shalt  }
0x3f: {  	_ =	shalt  }
0x40: {  	_ =	shalt  }
0x41: {  	_ =	shalt  }
0x42: {  	_ =	shalt  }
0x43: {  	_ =	shalt  }
0x44: {  	_ =	shalt  }
0x45: {  	_ =	shalt  }
0x46: {  	_ =	shalt  }
0x47: {  	_ =	shalt  }
0x48: {  	_ =	shalt  }
0x49: {  	_ =	shalt  }
0x4a: {  	_ =	shalt  }
0x4b: {  	_ =	shalt  }
0x4c: {  	_ =	shalt  }
0x4d: {  	_ =	shalt  }
0x4e: {  	_ =	shalt  }
0x4f: {  	_ =	shalt  }
0x50: {  	_ =	shalt  }
0x51: {  	_ =	shalt  }
0x52: {  	_ =	shalt  }
0x53: {  	_ =	shalt  }
0x54: {  	_ =	shalt  }
0x55: {  	_ =	shalt  }
0x56: {  	_ =	shalt  }
0x57: {  	_ =	shalt  }
0x58: {  	_ =	shalt  }
0x59: {  	_ =	shalt  }
0x5a: {  	_ =	shalt  }
0x5b: {  	_ =	shalt  }
0x5c: {  	_ =	shalt  }
0x5d: {  	_ =	shalt  }
0x5e: {  	_ =	shalt  }
0x5f: {  	_ =	shalt  }
0x60: {  	_ =	shalt  }
0x61: {  	_ =	shalt  }
0x62: {  	_ =	shalt  }
0x63: {  	_ =	shalt  }
0x64: {  	_ =	shalt  }
0x65: {  	_ =	shalt  }
0x66: {  	_ =	shalt  }
0x67: {  	_ =	shalt  }
0x68: {  	_ =	shalt  }
0x69: {  	_ =	shalt  }
0x6a: {  	_ =	shalt  }
0x6b: {  	_ =	shalt  }
0x6c: {  	_ =	shalt  }
0x6d: {  	_ =	shalt  }
0x6e: {  	_ =	shalt  }
0x6f: {  	_ =	shalt  }
0x70: {  	_ =	shalt  }
0x71: {  	_ =	shalt  }
0x72: {  	_ =	shalt  }
0x73: {  	_ =	shalt  }
0x74: {  	_ =	shalt  }
0x75: {  	_ =	shalt  }
0x76: {  	_ =	shalt  }
0x77: {  	_ =	shalt  }
0x78: {  	_ =	shalt  }
0x79: {  	_ =	shalt  }
0x7a: {  	_ =	shalt  }
0x7b: {  	_ =	shalt  }
0x7c: {  	_ =	shalt  }
0x7d: {  	_ =	shalt  }
0x7e: {  	_ =	shalt  }
0x7f: {  	_ =	shalt  }
0x80: {  	_ =	shalt  }
0x81: {  	_ =	shalt  }
0x82: {  	_ =	shalt  }
0x83: {  	_ =	shalt  }
0x84: {  	_ =	shalt  }
0x85: {  	_ =	shalt  }
0x86: {  	_ =	shalt  }
0x87: {  	_ =	shalt  }
.Lfunc_end0:
.L_simem_size_0:
called_computation.1_lowered:
.L_overlay_start_0:
0x88: {  	s2 =	sld [smem:$0x3FD9]  }
0x89: {  	s3 =	sld [smem:$0x3FFE];
	_ =	sdelay $0x1  }
0x8a: {  	s1 =	srdreg.scid  }
0x8b: {  	s0 =	sand.u32 $0x1, s1  }
0x8c: {  	s17 =	sshll.u32 s0, $0xA;
	s2 =	sadd.s32 s3, s2  }
0x8d: {  	s2 =	sadd.s32 s2, s17  }
0x8e: {  	[smem:$0x3FC6] =	sst s2  }
0x8f: {  	_ = 	snop  }
0x90: {  	s2 =	sld [smem:$0x3FC8];
	(tm) =	ssettm $0x1  }
0x91: {  	s18 =	sld [smem:$0x3FFB];
	_ =	sdelay $0x3  }
0x92: {  	_ =	strace s18  }
0x93: {  	s3 =	sld [smem:$0x3FFC];
	_ =	sdelay $0x3  }
0x94: {  	_ =	strace s3  }
0x95: {  	s3 =	sld [smem:$0x3FFD];
	_ =	sdelay $0x3  }
0x96: {  	_ =	strace s3  }
0x97: {  	_ =	strace $0x8FFFFFFF  }
0x98: {  	s19 =	sld [smem:$0x3FDB];
	_ =	sdelay $0x1  }
0x99: {  	s4 =	simm.s32 $_scs_section_size  }
0x9a: {  	s5 =	simm.s32 $_size__tile_overlayer_lowered;
	s6 =	simm.s32 $_tile_overlayer_lowered  }
0x9b: {  	s22 =	simm.s32 $0x1BFF;
	s21 =	sshll.u32 s6, $0x1;
	s3 =	sadd.s32 s4, s19  }
0x9c: {  	s7 =	simm.s32 $0x0;
	s20 =	sshll.u32 s5, $0x1;
	s5 =	sadd.s32 s21, s3  }
0x9d: {  	[timem:s7], [sflag:s22] =	dma.local [hbm:s5], s20  }
0x9e: {  	_ =	swait.ge [sflag:s22], s20  }
0x9f: {  	s4 =	ssub.s32 $0x0, s20;
	[sflag:s22] =	ssyncset.done $0x0  }
0xa0: {  	[sflag:s22] =	ssyncadd.s32 s4;
	_ =	sdelay $0x1  }
0xa1: {  	s23 =	simm.s32 $0x1B8B  }
0xa2: {  	_ =	swait.ge [sflag:s23], $0x1  }
0xa3: {  	[sflag:s23] =	ssyncset.done $0x0  }
0xa4: {  	s25 =	simm.s32 $0x1B8E;
	s24 =	sld [smem:$0x3FFE];
	[sflag:s23] =	ssyncadd.s32 $0xFFFFFFFF  }
0xa5: {  	s26 =	simm.s32 $execute0_lowered;
	[smem:$0x3FD2] =	sst s25  }
0xa6: {  	s5 =	sshll.u32 s26, $0x1;
	_ =	strace $0x80000049;
	[dreg:$0x1] =	wrdreg $0xFFFFFFFF  }
0xa7: {  	s28 =	simm.s32 $_size_execute0_lowered;
	s3 =	sadd.s32 s3, s5;
	[dreg:$0x0] =	wrdreg $0x0  }
0xa8: {  	s5 =	sshll.u32 s28, $0x1;
	[dreg:$0x2] =	wrdreg s3  }
0xa9: {  	[dreg:$0x3] =	wrdreg s5  }
0xaa: {  	[dreg:$0x4] =	wrdreg $0xC0  }
0xab: {  	_ =	task [dreg:s7], $0x5FFFF  }
0xac: {  	[dreg:$0x1] =	wrdreg $0xFFFFFFFF  }
0xad: {  	[dreg:$0x0] =	wrdreg $0x60  }
0xae: {  	[dreg:$0x2] =	wrdreg s24  }
0xaf: {  	[dreg:$0x3] =	wrdreg s2  }
0xb0: {  	[dreg:$0x4] =	wrdreg $0x9  }
0xb1: {  	_ =	task.clear_ibuf [dreg:s7], $0x5FFFF;
	_ =	strace $0x90000049  }
0xb2: {  	s29 =	simm.s32 $0x9;
	_ =	strace $0x8000004B  }
0xb3: {  	_ =	swait.ge [sflag:s29], $0x1  }
0xb4: {  	[sflag:s29] =	ssyncadd.s32 $0xFFFFFFFF  }
0xb5: {  	_ =	strace $0x9000004B  }
0xb6: {  	_ =	sfence  }
0xb7: {  	s30 =	sld [smem:$0x0];
	_ =	sdelay $0x2  }
0xb8: {  	s31 =	sshll.u32 s1, $0xD;
	s1 =	sshrl.u32 s1, $0x2  }
0xb9: {  	s3 =	sand.u32 $0x4000, s31;
	s1 =	sadd.s32 s1, s30  }
0xba: {  	s0 =	sor.u32 s3, s0;
	s1 =	sshll.u32 s1, $0x11  }
0xbb: {  	s0 =	sor.u32 s1, s0  }
0xbc: {  	s0 =	sadd.s32 $0x8F2B, s0  }
0xbd: {  	[sflag:s0] =	ssyncadd.remote.s32 $0x1  }
0xbe: {  	_ =	sfence.sel $0xFFFF  }
0xbf: {  	[dreg:$0x0] =	wrdreg $0xFFFFFFFF;
	(pc) =	sbr.abs _section_cstart, $3  }
0xc0: {  	[dreg:$0x1] =	wrdreg $0xFFFFFFFF  }
0xc1: {  	_ =	task.clear_ibuf [dreg:s7], $0x2FFFF;
	_ =	strace $0x9FFFFFFF  }
0xc2: {  	(tm) =	ssettm $0x7FFFFFFF  }
0xc3: {  	_ =	shalt  }
tec
execute0_lowered:
.L_overlay_start_1:
0x0: {  	(tag) =	ssettag $0x1  }
0x1: {  	s4 =	rddreg [dreg:$0x0]  }
0x2: {  	s2 =	rddreg [dreg:$0x1];
	s3 =	simm.s32 $0x0;
	s5 =	srdreg.scid  }
0x3: {  	s0 =	stileid.u32;
	s9 =	simm.s32 $0x2080;
	s10 =	simm.s32 $0xA080  }
0x4: {  	s11 =	simm.s32 $0x1;
	s12 =	simm.s32 $0x2;
	s13 =	simm.s32 $0x12080  }
0x5: {  	[smem:$0x7FF] =	sst s3;
	s5 =	sand.u32 $0x1, s5;
	s6 =	sshll.u32 s0, $0x1  }
0x6: {  	s14 =	simm.s32 $0x0;
	_ =	strace $0x8000004A;
	s6 =	sor.u32 s5, s6  }
0x7: {  	s5 =	ssub.s32 $0x2, s5;
	s7 =	sshll.u32 s6, $0x10;
	s6 =	sshll.u32 s6, $0xC  }
0x8: {  	s31 =	sshrl.u32 s5, $0x1;
	s7 =	sadd.s32 s7, s4;
	s6 =	sadd.s32 s6, s4  }
0x9: {  	v0 =	vlaneseq.u32;
	s8 =	ssub.s32 s5, s31;
	s4 =	sadd.s32 $0x400800, s7;
	s5 =	sadd.s32 $0x402800, s7  }
0xa: {  	v1 =	vimm.f32 $0.0e+00;
	vm0 =	vcmask $0x3F3C;
	vm1 =	vmmov $0x7fff;
	s6 =	sadd.s32 $0x800, s6;
	s7 =	smax.u32 s8, $0x1;
	s8 =	simm.s32 $0x3  }
.LBB2_1:
0xb: {  	v2 =	vadd.s32 s11, v0  }
0xc: {  	[tilespmem:s3], [sflag:$0x3] =	stream.linear.gather [hbm4b:s2+s3], $0x1000, $0x38;
	[tilespmem:$0x1A080] =	vst v63  }
0xd: {  	_ =	swait.ge [sflag:s8], $0x1000  }
0xe: {  	[sflag:s8] =	ssyncset.done $0x0  }
0xf: {  	[sflag:s8] =	ssyncadd.s32 $0xFFFFF000  }
0x10: {  	s15 =	simm.s32 $0x11;
	v2 =	vld.idx.msk [tilespmem:v2+s3+$0x0], $0xffff  }
0x11: {  	v3 =	vadd.s32 s15, v0;
	_ =	sdelay $0x2  }
0x12: {  	s15 =	simm.s32 $0x1080  }
0x13: {  	[tilespmem:s15+$0x0] =	vst v2  }
0x14: {  	s16 =	simm.s32 $0x21;
	v2 =	vld.idx.msk [tilespmem:v3+s3+$0x0], $0xffff  }
0x15: {  	v3 =	vadd.s32 s16, v0;
	s16 =	simm.s32 $0x31  }
.LBB2_2:
0x16: {  	p0 =	sne.s32 s16, $0xFF1;
	_ =	sdelay $0x1  }
.Ltmp0:
0x17: {  	s15 =	sadd.s32 $0x10, s15;
	(pc) =	sbr.rel @p0 .LBB2_2-.Ltmp0, $3  }
0x18: {  	s17 =	simm.s32 $0x0;
	[tilespmem:s15+$0x0] =	vst v2  }
0x19: {  	v2 =	vld.idx.msk [tilespmem:v3+s17+$0x0], $0xffff;
	_ =	sdelay $0x1  }
0x1a: {  	v3 =	vadd.s32 s16, v0;
	s16 =	sadd.s32 $0x10, s16  }
0x1b: {  	_ =	sdelay $0x1  }
0x1c: {  	s15 =	sadd.s32 $0x10, s15  }
0x1d: {  	[tilespmem:s15+$0x0] =	vst v2  }
0x1e: {  	p0 =	por $0x1, $0x1;
	v2 =	vld.idx.msk [tilespmem:v3+s17+$0x0], $0xffff  }
.Ltmp1:
0x1f: {  	_ = 	snop;
	(pc) =	sbr.rel @!p0 .LBB2_5-.Ltmp1, $3  }
0x20: {  	_ =	sdelay $0x1  }
0x21: {  	s15 =	sadd.s32 $0x10, s15  }
0x22: {  	s16 =	simm.s32 $0x0;
	[tilespmem:s15+$0x0] =	vst v2;
	s15 =	simm.s32 $0x40  }
.LBB2_4:
0x23: {  	p0 =	sne.s32 s15, $0x1FFC0;
	[tilespmem:s16+$0x12080] =	vst v1;
	s16 =	smov.u32 s15;
	s15 =	sadd.s32 $0x40, s15  }
.Ltmp2:
0x24: {  	(pc) =	sbr.rel @p0 .LBB2_4-.Ltmp2, $2  }
0x25: {  	_ =	sdelay $0x2  }
0x26: {  	s16 =	sshra.s32 s16, $0x2  }
.LBB2_5:
0x27: {  	[tilespmem:s16+$0x12080] =	vst v1;
	s15 =	simm.s32 $0x0;
	s16 =	simm.s32 $0x0  }
0x28: {  	[tilespmem:s9], [sflag:$0x1] =	stream.linear.gather [hbm4b:s4+s15], $0x8000, $0x38;
	[tilespmem:$0x1A080] =	vst v63  }
.LBB2_6:
0x29: {  	s17 =	sshllo.u32 s16, $0x1  }
0x2a: {  	s18 =	sshll.u32 s17, $0xC  }
0x2b: {  	s18 =	sadd.s32 s18, s4  }
0x2c: {  	[tilespmem:s10], [sflag:$0x2] =	stream.linear.gather [hbm4b:s18+s15], $0x8000, $0x38;
	[tilespmem:$0x1A080] =	vst v63  }
0x2d: {  	_ =	swait.ge [sflag:s11], $0x8000  }
0x2e: {  	s24 =	sand.u32 $0x70, s15;
	s19 =	sand.u32 $0x7C00, s15;
	[sflag:s11] =	ssyncset.done $0x0  }
0x2f: {  	s18 =	sor.u32 s24, s19;
	[sflag:s11] =	ssyncadd.s32 $0xFFFF8000  }
0x30: {  	v3 =	vld [tilespmem:s18+$0x2080];
	_ =	sdelay $0x2  }
0x31: {  	v4 =	vld [tilespmem:s18+$0x2100]  }
0x32: {  	s25 =	simm.s32 $0x1080;
	v5 =	vld [tilespmem:s18+$0x2180]  }
0x33: {  	v2 =	vld [tilespmem:s25+$0x0];
	(xrf2) =	vadd.scan.msk.f32 $0xffff, v3  }
0x34: {  	v3 =	vld [tilespmem:s15+$0x0]  }
0x35: {  	v6 =	vld [tilespmem:s18+$0x2200]  }
0x36: {  	(xrf2) =	vadd.scan.msk.f32 $0xffff, v4  }
0x37: {  	v4 =	vld [tilespmem:s18+$0x2280]  }
0x38: {  	(xrf2) =	vadd.scan.msk.f32 $0xffff, v5;
	v5 =	vld [tilespmem:s18+$0x2300]  }
0x39: {  	vm3 =	vne.s32 v3, v2  }
0x3a: {  	(xrf2) =	vadd.scan.msk.f32 $0xffff, v6;
	vm2 =	vmor vm3, vm0  }
0x3b: {  	s26 =	sand.u32 $0x7, s15;
	vm3 =	vmand vm3, vm1  }
0x3c: {  	s19 =	sshll.u32 s26, $0x4;
	(xrf2) =	vadd.scan.msk.f32 $0xffff, v4  }
0x3d: {  	s20 =	sshll.u32 s16, $0xC;
	s19 =	sadd.s32 $0x0, s19;
	(xrf2) =	vadd.scan.msk.f32 $0xffff, v5;
	v5 =	vld [tilespmem:s18+$0x2380];
	v4, _, _ =	vpop (xrf2)  }
0x3e: {  	s20 =	sand.u32 $0x3FFFF000, s20;
	s19 =	sor.u32 $0x380, s19;
	v6 =	vsub.f32 $0.0e+00, v4  }
0x3f: {  	v7 =	vld [tilespmem:s19+$0x2080];
	s18 =	sadd.s32 $0x12080, s20  }
0x40: {  	v8, _, _ =	vpop (xrf2);
	[tilespmem:v3+s18+$0x0] =	vst.idx.add.f32.msk vm2, v4  }
0x41: {  	s19 =	sadd.s32 $0x12180, s20;
	v4 =	vsub.f32 $0.0e+00, v8;
	[tilespmem:v2+s18+$0x0] =	vst.idx.add.f32.msk vm3, v6  }
0x42: {  	(xrf2) =	vadd.scan.msk.f32 $0xffff, v5;
	[tilespmem:v3+s19+$0x0] =	vst.idx.add.f32.msk vm2, v8;
	v6, _, _ =	vpop (xrf2)  }
0x43: {  	s21 =	sadd.s32 $0x12280, s20;
	[tilespmem:v2+s19+$0x0] =	vst.idx.add.f32.msk vm3, v4;
	v4 =	vsub.f32 $0.0e+00, v6  }
0x44: {  	[tilespmem:v3+s21+$0x0] =	vst.idx.add.f32.msk vm2, v6;
	v6, _, _ =	vpop (xrf2)  }
0x45: {  	(xrf2) =	vadd.scan.msk.f32 $0xffff, v7;
	[tilespmem:v2+s21+$0x0] =	vst.idx.add.f32.msk vm3, v4;
	v4 =	vsub.f32 $0.0e+00, v6;
	_ =	sdelay $0x1  }
0x46: {  	s24 =	sadd.s32 $0x12380, s20  }
0x47: {  	s28 =	simm.s32 $0x1090;
	s29 =	simm.s32 $0x0;
	s30 =	simm.s32 $0x0;
	[tilespmem:v3+s24+$0x0] =	vst.idx.add.f32.msk vm2, v6;
	v6, _, _ =	vpop (xrf2)  }
0x48: {  	s31 =	simm.s32 $0x0;
	s23 =	sadd.s32 $0x12580, s20;
	s25 =	sadd.s32 $0x12480, s20;
	[tilespmem:v2+s24+$0x0] =	vst.idx.add.f32.msk vm3, v4;
	v4, _, _ =	vpop (xrf2)  }
0x49: {  	s22 =	sadd.s32 $0x12680, s20;
	s26 =	simm.s32 $0x10;
	s20 =	sadd.s32 $0x12780, s20;
	[tilespmem:v3+s25+$0x0] =	vst.idx.add.f32.msk vm2, v6;
	v6 =	vsub.f32 $0.0e+00, v6;
	v5 =	vsub.f32 $0.0e+00, v4  }
.LBB2_7:
0x4a: {  	s29 =	sadd.s32 $0x80, s29;
	s30 =	sadd.s32 $0x1, s30;
	s31 =	sadd.s32 $0x10, s31  }
0x4b: {  	p0 =	sne.s32 s26, $0xFF0;
	s0 =	smov.u32 s26;
	s26 =	sadd.s32 $0x10, s26;
	[tilespmem:v2+s25+$0x0] =	vst.idx.add.f32.msk vm3, v6;
	v6, _, _ =	vpop (xrf2)  }
0x4c: {  	[tilespmem:v3+s23+$0x0] =	vst.idx.add.f32.msk vm2, v4  }
0x4d: {  	v4 =	vsub.f32 $0.0e+00, v6;
	[tilespmem:v2+s23+$0x0] =	vst.idx.add.f32.msk vm3, v5  }
0x4e: {  	[tilespmem:v3+s22+$0x0] =	vst.idx.add.f32.msk vm2, v6;
	v5, _, _ =	vpop (xrf2)  }
0x4f: {  	[tilespmem:v2+s22+$0x0] =	vst.idx.add.f32.msk vm3, v4;
	v4 =	vsub.f32 $0.0e+00, v5  }
0x50: {  	s0 =	sand.u32 $0x70, s0;
	s1 =	sand.u32 $0x7C00, s29;
	[tilespmem:v3+s20+$0x0] =	vst.idx.add.f32.msk vm2, v5  }
0x51: {  	s0 =	sor.u32 s0, s1;
	[tilespmem:v2+s20+$0x0] =	vst.idx.add.f32.msk vm3, v4  }
0x52: {  	v2 =	vld [tilespmem:s0+$0x2080];
	_ =	sdelay $0x1  }
0x53: {  	v4 =	vld [tilespmem:s0+$0x2100];
	_ =	sdelay $0x1  }
0x54: {  	v5 =	vld [tilespmem:s0+$0x2180]  }
0x55: {  	(xrf2) =	vadd.scan.msk.f32 $0xffff, v2  }
0x56: {  	v2 =	vld [tilespmem:s28+$0x0]  }
0x57: {  	v3 =	vld [tilespmem:s31+$0x0]  }
0x58: {  	v6 =	vld [tilespmem:s0+$0x2200];
	(xrf2) =	vadd.scan.msk.f32 $0xffff, v4;
	_ =	sdelay $0x2  }
0x59: {  	v4 =	vld [tilespmem:s0+$0x2280];
	(xrf2) =	vadd.scan.msk.f32 $0xffff, v5  }
0x5a: {  	vm3 =	vne.s32 v3, v2  }
0x5b: {  	v5 =	vld [tilespmem:s0+$0x2300]  }
0x5c: {  	vm2 =	vmor vm3, vm0;
	(xrf2) =	vadd.scan.msk.f32 $0xffff, v6  }
0x5d: {  	s1 =	sand.u32 $0x7, s30;
	vm3 =	vmand vm3, vm1;
	v6, _, _ =	vpop (xrf2)  }
0x5e: {  	s1 =	sshll.u32 s1, $0x4;
	v7 =	vsub.f32 $0.0e+00, v6  }
0x5f: {  	s1 =	sadd.s32 s1, s29;
	(xrf2) =	vadd.scan.msk.f32 $0xffff, v4  }
0x60: {  	v4 =	vld [tilespmem:s0+$0x2380];
	s0 =	sor.u32 $0x380, s1;
	v8, _, _ =	vpop (xrf2)  }
0x61: {  	v9 =	vld [tilespmem:s0+$0x2080];
	v10 =	vsub.f32 $0.0e+00, v8  }
0x62: {  	[tilespmem:v3+s18+$0x0] =	vst.idx.add.f32.msk vm2, v6;
	(xrf2) =	vadd.scan.msk.f32 $0xffff, v5  }
0x63: {  	[tilespmem:v2+s18+$0x0] =	vst.idx.add.f32.msk vm3, v7;
	v5, _, _ =	vpop (xrf2)  }
0x64: {  	[tilespmem:v3+s19+$0x0] =	vst.idx.add.f32.msk vm2, v8  }
0x65: {  	v6 =	vsub.f32 $0.0e+00, v5;
	[tilespmem:v2+s19+$0x0] =	vst.idx.add.f32.msk vm3, v10;
	(xrf2) =	vadd.scan.msk.f32 $0xffff, v4  }
0x66: {  	[tilespmem:v3+s21+$0x0] =	vst.idx.add.f32.msk vm2, v5;
	v4, _, _ =	vpop (xrf2)  }
0x67: {  	[tilespmem:v2+s21+$0x0] =	vst.idx.add.f32.msk vm3, v6;
	v5 =	vsub.f32 $0.0e+00, v4  }
0x68: {  	[tilespmem:v3+s24+$0x0] =	vst.idx.add.f32.msk vm2, v4;
	(xrf2) =	vadd.scan.msk.f32 $0xffff, v9  }
.Ltmp3:
0x69: {  	[tilespmem:v2+s24+$0x0] =	vst.idx.add.f32.msk vm3, v5;
	v4, _, _ =	vpop (xrf2);
	(pc) =	sbr.rel @p0 .LBB2_7-.Ltmp3, $3  }
0x6a: {  	[tilespmem:v3+s25+$0x0] =	vst.idx.add.f32.msk vm2, v4;
	_ =	sdelay $0x1  }
0x6b: {  	v6 =	vsub.f32 $0.0e+00, v4;
	v4, _, _ =	vpop (xrf2)  }
0x6c: {  	s28 =	sadd.s32 $0x10, s28;
	v5 =	vsub.f32 $0.0e+00, v4  }
0x6d: {  	_ =	sdelay $0x4  }
0x6e: {  	[tilespmem:v2+s25+$0x0] =	vst.idx.add.f32.msk vm3, v6  }
0x6f: {  	v6, _, _ =	vpop (xrf2);
	[tilespmem:v3+s23+$0x0] =	vst.idx.add.f32.msk vm2, v4  }
0x70: {  	[tilespmem:v2+s23+$0x0] =	vst.idx.add.f32.msk vm3, v5;
	v4 =	vsub.f32 $0.0e+00, v6  }
0x71: {  	[tilespmem:v3+s22+$0x0] =	vst.idx.add.f32.msk vm2, v6;
	v5, _, _ =	vpop (xrf2)  }
0x72: {  	p0 =	seq.s32 s16, $0x7;
	[tilespmem:v2+s22+$0x0] =	vst.idx.add.f32.msk vm3, v4;
	v4 =	vsub.f32 $0.0e+00, v5  }
0x73: {  	s0 =	sshll.u32 @!p0 s16, $0xD;
	[tilespmem:v3+s20+$0x0] =	vst.idx.add.f32.msk vm2, v5  }
0x74: {  	s1 =	simm.s32 @!p0 $0x0;
	s18 =	simm.s32 @!p0 $0x2080;
	s0 =	sadd.s32 @!p0 s0, s5;
	[tilespmem:v2+s20+$0x0] =	vst.idx.add.f32.msk vm3, v4  }
0x75: {  	[tilespmem:s18], [sflag:$0x1] =	stream.linear.gather @!p0 [hbm4b:s0+s1], $0x8000, $0x38;
	[tilespmem:$0x1A080] =	vst v63  }
0x76: {  	s18 =	simm.s32 $0x0;
	_ =	swait.ge [sflag:s12], $0x8000  }
0x77: {  	s22 =	sand.u32 $0x70, s18;
	s23 =	sand.u32 $0x7C00, s18;
	[sflag:s12] =	ssyncset.done $0x0  }
0x78: {  	s0 =	sor.u32 s22, s23;
	[sflag:s12] =	ssyncadd.s32 $0xFFFF8000  }
0x79: {  	v3 =	vld [tilespmem:s0+$0xA080];
	_ =	sdelay $0x2  }
0x7a: {  	v4 =	vld [tilespmem:s0+$0xA100]  }
0x7b: {  	s24 =	simm.s32 $0x1080;
	v5 =	vld [tilespmem:s0+$0xA180]  }
0x7c: {  	v2 =	vld [tilespmem:s24+$0x0];
	(xrf2) =	vadd.scan.msk.f32 $0xffff, v3  }
0x7d: {  	v3 =	vld [tilespmem:s18+$0x0]  }
0x7e: {  	v6 =	vld [tilespmem:s0+$0xA200]  }
0x7f: {  	(xrf2) =	vadd.scan.msk.f32 $0xffff, v4  }
0x80: {  	v4 =	vld [tilespmem:s0+$0xA280]  }
0x81: {  	(xrf2) =	vadd.scan.msk.f32 $0xffff, v5;
	v5 =	vld [tilespmem:s0+$0xA300]  }
0x82: {  	vm3 =	vne.s32 v3, v2  }
0x83: {  	(xrf2) =	vadd.scan.msk.f32 $0xffff, v6;
	vm2 =	vmor vm3, vm0  }
0x84: {  	s25 =	sand.u32 $0x7, s18;
	vm3 =	vmand vm3, vm1  }
0x85: {  	s1 =	sshll.u32 s25, $0x4;
	(xrf2) =	vadd.scan.msk.f32 $0xffff, v4  }
0x86: {  	s17 =	sshll.u32 s17, $0xB;
	s1 =	sadd.s32 $0x0, s1;
	(xrf2) =	vadd.scan.msk.f32 $0xffff, v5;
	v5 =	vld [tilespmem:s0+$0xA380];
	v4, _, _ =	vpop (xrf2)  }
0x87: {  	s26 =	sand.u32 $0x3FFFF800, s17;
	s31 =	sor.u32 $0x380, s1;
	v6 =	vsub.f32 $0.0e+00, v4  }
0x88: {  	s17 =	sadd.s32 $0x12080, s26;
	v7 =	vld [tilespmem:s31+$0xA080]  }
0x89: {  	v8, _, _ =	vpop (xrf2);
	[tilespmem:v3+s17+$0x0] =	vst.idx.add.f32.msk vm2, v4  }
0x8a: {  	s19 =	sadd.s32 $0x12180, s26;
	v4 =	vsub.f32 $0.0e+00, v8;
	[tilespmem:v2+s17+$0x0] =	vst.idx.add.f32.msk vm3, v6  }
0x8b: {  	(xrf2) =	vadd.scan.msk.f32 $0xffff, v5;
	[tilespmem:v3+s19+$0x0] =	vst.idx.add.f32.msk vm2, v8;
	v6, _, _ =	vpop (xrf2)  }
0x8c: {  	s21 =	sadd.s32 $0x12280, s26;
	[tilespmem:v2+s19+$0x0] =	vst.idx.add.f32.msk vm3, v4;
	v4 =	vsub.f32 $0.0e+00, v6  }
0x8d: {  	[tilespmem:v3+s21+$0x0] =	vst.idx.add.f32.msk vm2, v6;
	v6, _, _ =	vpop (xrf2)  }
0x8e: {  	(xrf2) =	vadd.scan.msk.f32 $0xffff, v7;
	[tilespmem:v2+s21+$0x0] =	vst.idx.add.f32.msk vm3, v4;
	v4 =	vsub.f32 $0.0e+00, v6;
	_ =	sdelay $0x1  }
0x8f: {  	s24 =	sadd.s32 $0x12380, s26  }
0x90: {  	s28 =	simm.s32 $0x1090;
	s29 =	simm.s32 $0x0;
	[tilespmem:v3+s24+$0x0] =	vst.idx.add.f32.msk vm2, v6;
	v6, _, _ =	vpop (xrf2)  }
0x91: {  	s30 =	simm.s32 $0x0;
	s20 =	sadd.s32 $0x12780, s26;
	s25 =	sadd.s32 $0x12480, s26;
	[tilespmem:v2+s24+$0x0] =	vst.idx.add.f32.msk vm3, v4;
	v4, _, _ =	vpop (xrf2)  }
0x92: {  	s23 =	sadd.s32 $0x12580, s26;
	s22 =	sadd.s32 $0x12680, s26;
	s26 =	simm.s32 $0x10;
	[tilespmem:v3+s25+$0x0] =	vst.idx.add.f32.msk vm2, v6;
	v6 =	vsub.f32 $0.0e+00, v6;
	v5 =	vsub.f32 $0.0e+00, v4  }
.LBB2_9:
0x93: {  	s18 =	sadd.s32 $0x80, s18;
	s29 =	sadd.s32 $0x1, s29;
	s30 =	sadd.s32 $0x10, s30  }
0x94: {  	p0 =	sne.s32 s26, $0xFF0;
	s0 =	smov.u32 s26;
	s26 =	sadd.s32 $0x10, s26;
	[tilespmem:v2+s25+$0x0] =	vst.idx.add.f32.msk vm3, v6;
	v6, _, _ =	vpop (xrf2)  }
0x95: {  	[tilespmem:v3+s23+$0x0] =	vst.idx.add.f32.msk vm2, v4  }
0x96: {  	v4 =	vsub.f32 $0.0e+00, v6;
	[tilespmem:v2+s23+$0x0] =	vst.idx.add.f32.msk vm3, v5  }
0x97: {  	[tilespmem:v3+s22+$0x0] =	vst.idx.add.f32.msk vm2, v6;
	v5, _, _ =	vpop (xrf2)  }
0x98: {  	[tilespmem:v2+s22+$0x0] =	vst.idx.add.f32.msk vm3, v4;
	v4 =	vsub.f32 $0.0e+00, v5  }
0x99: {  	s0 =	sand.u32 $0x70, s0;
	s1 =	sand.u32 $0x7C00, s18;
	[tilespmem:v3+s20+$0x0] =	vst.idx.add.f32.msk vm2, v5  }
0x9a: {  	s0 =	sor.u32 s0, s1;
	[tilespmem:v2+s20+$0x0] =	vst.idx.add.f32.msk vm3, v4  }
0x9b: {  	v2 =	vld [tilespmem:s0+$0xA080];
	_ =	sdelay $0x1  }
0x9c: {  	v4 =	vld [tilespmem:s0+$0xA100];
	_ =	sdelay $0x1  }
0x9d: {  	v5 =	vld [tilespmem:s0+$0xA180]  }
0x9e: {  	(xrf2) =	vadd.scan.msk.f32 $0xffff, v2  }
0x9f: {  	v2 =	vld [tilespmem:s28+$0x0]  }
0xa0: {  	v3 =	vld [tilespmem:s30+$0x0]  }
0xa1: {  	v6 =	vld [tilespmem:s0+$0xA200];
	(xrf2) =	vadd.scan.msk.f32 $0xffff, v4;
	_ =	sdelay $0x2  }
0xa2: {  	v4 =	vld [tilespmem:s0+$0xA280];
	(xrf2) =	vadd.scan.msk.f32 $0xffff, v5  }
0xa3: {  	vm3 =	vne.s32 v3, v2  }
0xa4: {  	v5 =	vld [tilespmem:s0+$0xA300]  }
0xa5: {  	vm2 =	vmor vm3, vm0;
	(xrf2) =	vadd.scan.msk.f32 $0xffff, v6  }
0xa6: {  	s1 =	sand.u32 $0x7, s29;
	vm3 =	vmand vm3, vm1;
	v6, _, _ =	vpop (xrf2)  }
0xa7: {  	s1 =	sshll.u32 s1, $0x4;
	v7 =	vsub.f32 $0.0e+00, v6  }
0xa8: {  	s1 =	sadd.s32 s1, s18;
	(xrf2) =	vadd.scan.msk.f32 $0xffff, v4  }
0xa9: {  	v4 =	vld [tilespmem:s0+$0xA380];
	s0 =	sor.u32 $0x380, s1;
	v8, _, _ =	vpop (xrf2)  }
0xaa: {  	v9 =	vld [tilespmem:s0+$0xA080];
	v10 =	vsub.f32 $0.0e+00, v8  }
0xab: {  	[tilespmem:v3+s17+$0x0] =	vst.idx.add.f32.msk vm2, v6;
	(xrf2) =	vadd.scan.msk.f32 $0xffff, v5  }
0xac: {  	[tilespmem:v2+s17+$0x0] =	vst.idx.add.f32.msk vm3, v7;
	v5, _, _ =	vpop (xrf2)  }
0xad: {  	[tilespmem:v3+s19+$0x0] =	vst.idx.add.f32.msk vm2, v8  }
0xae: {  	v6 =	vsub.f32 $0.0e+00, v5;
	[tilespmem:v2+s19+$0x0] =	vst.idx.add.f32.msk vm3, v10;
	(xrf2) =	vadd.scan.msk.f32 $0xffff, v4  }
0xaf: {  	[tilespmem:v3+s21+$0x0] =	vst.idx.add.f32.msk vm2, v5;
	v4, _, _ =	vpop (xrf2)  }
0xb0: {  	[tilespmem:v2+s21+$0x0] =	vst.idx.add.f32.msk vm3, v6;
	v5 =	vsub.f32 $0.0e+00, v4  }
0xb1: {  	[tilespmem:v3+s24+$0x0] =	vst.idx.add.f32.msk vm2, v4;
	(xrf2) =	vadd.scan.msk.f32 $0xffff, v9  }
.Ltmp4:
0xb2: {  	[tilespmem:v2+s24+$0x0] =	vst.idx.add.f32.msk vm3, v5;
	v4, _, _ =	vpop (xrf2);
	(pc) =	sbr.rel @p0 .LBB2_9-.Ltmp4, $3  }
0xb3: {  	[tilespmem:v3+s25+$0x0] =	vst.idx.add.f32.msk vm2, v4;
	_ =	sdelay $0x1  }
0xb4: {  	v6 =	vsub.f32 $0.0e+00, v4;
	v4, _, _ =	vpop (xrf2)  }
0xb5: {  	s28 =	sadd.s32 $0x10, s28;
	v5 =	vsub.f32 $0.0e+00, v4  }
0xb6: {  	_ =	sdelay $0x4  }
0xb7: {  	[tilespmem:v2+s25+$0x0] =	vst.idx.add.f32.msk vm3, v6;
	s16 =	sadd.s32 $0x1, s16  }
0xb8: {  	v60, _, _ =	vpop (xrf2);
	[tilespmem:v3+s23+$0x0] =	vst.idx.add.f32.msk vm2, v4;
	p0 =	sne.s32 s16, $0x8  }
.Ltmp5:
0xb9: {  	[tilespmem:v2+s23+$0x0] =	vst.idx.add.f32.msk vm3, v5;
	v61 =	vsub.f32 $0.0e+00, v60;
	(pc) =	sbr.rel @p0 .LBB2_6-.Ltmp5, $4  }
0xba: {  	[tilespmem:v3+s22+$0x0] =	vst.idx.add.f32.msk vm2, v60;
	v62, _, _ =	vpop (xrf2)  }
0xbb: {  	[tilespmem:v2+s22+$0x0] =	vst.idx.add.f32.msk vm3, v61;
	v63 =	vsub.f32 $0.0e+00, v62  }
0xbc: {  	[tilespmem:v3+s20+$0x0] =	vst.idx.add.f32.msk vm2, v62  }
0xbd: {  	[tilespmem:v2+s20+$0x0] =	vst.idx.add.f32.msk vm3, v63  }
0xbe: {  	s14 =	sadd.s32 $0x1, s14  }
0xbf: {  	p0 =	sne.s32 s14, s7  }
.Ltmp6:
0xc0: {  	_ = 	snop;
	(pc) =	sbr.rel @p0 .LBB2_1-.Ltmp6, $4  }
0xc1: {  	[hbm4b:s6+s3] =	stream.linear.scatter [tilespmem:s13], [sflag:$0x3], $0x8000, $0x38;
	[tilespmem:$0x1A080] =	vst v63  }
0xc2: {  	_ =	swait.ge [sflag:s8], $0x8000  }
0xc3: {  	[sflag:s8] =	ssyncset.done $0x0  }
0xc4: {  	[sflag:s8] =	ssyncadd.s32 $0xFFFF8000  }
0xc5: {  	_ =	sfence.sel $0x180000  }
0xc6: {  	[bflag:$0x0] =	sbarrier.arrive $0xFFFF  }
0xc7: {  	_ =	strace $0x9000004A  }
0xc8: {  	s0 =	stileid.u32;
	[bflag:$0x2] =	sbarrier.arrive $0xFFFF  }
0xc9: {  	p0 =	sne.s32 s0, $0x0;
	s0 =	rddreg [dreg:$0x2]  }
0xca: {  	s0 =	sadd.s32 @!p0 $0x100000, s0  }
0xcb: {  	[sflag:s0] =	ssyncadd.tile.s32 @!p0 $0x1;
	_ =	shalt  }
.Lfunc_end2:
_tile_overlayer_lowered:
.L_overlay_start_2:
0xcc: {  	(tag) =	ssettag $0x2  }
0xcd: {  	s0 =	rddreg [dreg:$0x0];
	s2 =	stileid.u32  }
0xce: {  	s1 =	rddreg [dreg:$0x1];
	p0 =	sne.s32 s2, $0x0  }
0xcf: {  	s3 =	rddreg [dreg:$0x2];
	[bflag:$0x3] =	sbarrier.arrive $0xFFFF;
	s2 =	simm.s32 @!p0 $0x1C03  }
0xd0: {  	[timem:s3], [sflag:s2] =	dma.local @!p0 [hbm:s0], s1  }
0xd1: {  	s0 =	simm.s32 @!p0 $0x3  }
0xd2: {  	_ =	swait.ge @!p0 [sflag:s0], s1  }
0xd3: {  	s1 =	ssub.s32 @!p0 $0x0, s1;
	[sflag:s0] =	ssyncset.done @!p0 $0x0  }
0xd4: {  	[sflag:s0] =	ssyncadd.s32 @!p0 s1  }
0xd5: {  	[bflag:$0x3] =	sbarrier.arrive $0xFFFF  }
0xd6: {  	_ =	shalt  }

// kernel: sparse-core-data-format-call.cloned.1.call-start
scs
called_computation_lowered:
.L_overlay_start_0:
0x0: {  	s2 =	sld [smem:$0x3FD9]  }
0x1: {  	s3 =	sld [smem:$0x3FFE];
	_ =	sdelay $0x1  }
0x2: {  	s1 =	srdreg.scid  }
0x3: {  	s0 =	sand.u32 $0x1, s1  }
0x4: {  	s18 =	sshll.u32 s0, $0xA;
	s2 =	sadd.s32 s3, s2  }
0x5: {  	s2 =	sadd.s32 s2, s18  }
0x6: {  	[smem:$0x3FC6] =	sst s2  }
0x7: {  	_ = 	snop  }
0x8: {  	s2 =	sld [smem:$0x3FC9];
	(tm) =	ssettm $0x1  }
0x9: {  	s19 =	sld [smem:$0x3FFB];
	_ =	sdelay $0x3  }
0xa: {  	_ =	strace s19  }
0xb: {  	s3 =	sld [smem:$0x3FFC];
	_ =	sdelay $0x3  }
0xc: {  	_ =	strace s3  }
0xd: {  	s3 =	sld [smem:$0x3FFD];
	_ =	sdelay $0x3  }
0xe: {  	_ =	strace s3  }
0xf: {  	_ =	strace $0x8FFFFFFF  }
0x10: {  	s20 =	sld [smem:$0x3FDB];
	_ =	sdelay $0x1  }
0x11: {  	s4 =	simm.s32 $_scs_section_size  }
0x12: {  	s5 =	simm.s32 $_size__tile_overlayer_lowered;
	s6 =	simm.s32 $_tile_overlayer_lowered  }
0x13: {  	s23 =	simm.s32 $0x1BFF;
	s22 =	sshll.u32 s6, $0x1;
	s3 =	sadd.s32 s4, s20  }
0x14: {  	s7 =	simm.s32 $0x0;
	s21 =	sshll.u32 s5, $0x1;
	s5 =	sadd.s32 s22, s3  }
0x15: {  	[timem:s7], [sflag:s23] =	dma.local [hbm:s5], s21  }
0x16: {  	_ =	swait.ge [sflag:s23], s21  }
0x17: {  	s4 =	ssub.s32 $0x0, s21;
	[sflag:s23] =	ssyncset.done $0x0  }
0x18: {  	[sflag:s23] =	ssyncadd.s32 s4;
	_ =	sdelay $0x1  }
0x19: {  	s24 =	simm.s32 $0x1B8B  }
0x1a: {  	_ =	swait.ge [sflag:s24], $0x1  }
0x1b: {  	[sflag:s24] =	ssyncset.done $0x0  }
0x1c: {  	s26 =	simm.s32 $0x1B8E;
	s25 =	sld [smem:$0x3FFE];
	[sflag:s24] =	ssyncadd.s32 $0xFFFFFFFF  }
0x1d: {  	s27 =	simm.s32 $execute0_lowered;
	[smem:$0x3FD2] =	sst s26  }
0x1e: {  	s5 =	sshll.u32 s27, $0x1;
	_ =	strace $0x80000046;
	[dreg:$0x1] =	wrdreg $0xFFFFFFFF  }
0x1f: {  	s28 =	simm.s32 $_size_execute0_lowered;
	s3 =	sadd.s32 s3, s5;
	[dreg:$0x0] =	wrdreg $0x0  }
0x20: {  	s5 =	sshll.u32 s28, $0x1;
	[dreg:$0x2] =	wrdreg s3  }
0x21: {  	[dreg:$0x3] =	wrdreg s5  }
0x22: {  	[dreg:$0x4] =	wrdreg $0xC0  }
0x23: {  	_ =	task [dreg:s7], $0x5FFFF  }
0x24: {  	[dreg:$0x1] =	wrdreg $0xFFFFFFFF  }
0x25: {  	[dreg:$0x0] =	wrdreg $0x60  }
0x26: {  	[dreg:$0x2] =	wrdreg s2  }
0x27: {  	[dreg:$0x3] =	wrdreg s25  }
0x28: {  	[dreg:$0x4] =	wrdreg $0x9  }
0x29: {  	_ =	task.clear_ibuf [dreg:s7], $0x5FFFF;
	_ =	strace $0x90000046  }
0x2a: {  	s29 =	simm.s32 $0x9;
	_ =	strace $0x80000048  }
0x2b: {  	_ =	swait.ge [sflag:s29], $0x1  }
0x2c: {  	[sflag:s29] =	ssyncadd.s32 $0xFFFFFFFF  }
0x2d: {  	_ =	strace $0x90000048  }
0x2e: {  	_ =	sfence  }
0x2f: {  	s30 =	sld [smem:$0x0];
	_ =	sdelay $0x2  }
0x30: {  	s31 =	sshll.u32 s1, $0xD;
	s1 =	sshrl.u32 s1, $0x2  }
0x31: {  	s3 =	sand.u32 $0x4000, s31;
	s1 =	sadd.s32 s1, s30  }
0x32: {  	s0 =	sor.u32 s3, s0;
	s1 =	sshll.u32 s1, $0x11  }
0x33: {  	s0 =	sor.u32 s1, s0  }
0x34: {  	s0 =	sadd.s32 $0x8F2B, s0  }
0x35: {  	[sflag:s0] =	ssyncadd.remote.s32 $0x1  }
0x36: {  	_ =	sfence.sel $0xFFFF  }
0x37: {  	[dreg:$0x0] =	wrdreg $0xFFFFFFFF;
	(pc) =	sbr.abs _section_cstart, $3  }
0x38: {  	[dreg:$0x1] =	wrdreg $0xFFFFFFFF  }
0x39: {  	_ =	task.clear_ibuf [dreg:s7], $0x2FFFF;
	_ =	strace $0x9FFFFFFF  }
0x3a: {  	(tm) =	ssettm $0x7FFFFFFF  }
0x3b: {  	_ =	shalt  }
tec
execute0_lowered:
.L_overlay_start_1:
0x0: {  	(tag) =	ssettag $0x1  }
0x1: {  	s0 =	stileid.u32;
	s2 =	rddreg [dreg:$0x0]  }
0x2: {  	s3 =	srdreg.scid;
	s7 =	rddreg [dreg:$0x1]  }
0x3: {  	s6 =	simm.s32 $0x1;
	s31 =	simm.s32 $0x2;
	s14 =	simm.s32 $0x0  }
0x4: {  	s10 =	simm.s32 $0x2000;
	s15 =	simm.s32 $0x0;
	s1 =	sshll.u32 s0, $0x1  }
0x5: {  	s13 =	simm.s32 $0x0;
	s4 =	sand.u32 $0x1, s3;
	s5 =	ssub.s32 $0x20, s1  }
0x6: {  	s3 =	rddreg [dreg:$0x2];
	_ =	strace $0x80000047;
	s30 =	sand.u32 $0x1E, s5  }
0x7: {  	s8 =	ssub.s32 $0x40, s4;
	s5 =	sshrl.u32 s5, $0x5;
	p0 =	sne.s32 s30, $0x0  }
.Ltmp0:
0x8: {  	s9 =	sshrl.u32 s8, $0x1;
	s6 =	simm.s32 @!p0 $0x0;
	(pc) =	sbr.rel .LBB1_1-.Ltmp0, $4  }
0x9: {  	s7 =	sadd.s32 $0x800, s7;
	s8 =	ssub.s32 s8, s9;
	s6 =	sadd.s32 s6, s5  }
0xa: {  	s11 =	smov.u32 s4;
	s5 =	simm.s32 $0x1;
	s6 =	smul.u32 s8, s6  }
0xb: {  	s12 =	smov.u32 s1;
	s9 =	simm.s32 $0x40;
	[sflag:s5] =	ssyncpa.u1 $0x0  }
0xc: {  	p0 =	por $0x0, $0x0;
	[sflag:s31] =	ssyncpa.u1 $0x0;
	s8 =	sadd.s32 $0x1, s6  }
.LBB1_7:
0xd: {  	s16 =	sadd.s32 $0x2, s11  }
0xe: {  	s14 =	sadd.s32 $0x20, s12;
	s18 =	smov.u32 s12;
	p2 =	sgt.s32 s16, $0x3F  }
0xf: {  	s18 =	smov.u32 @p2 s14  }
0x10: {  	s16 =	smov.u32 @p2 s4;
	p2 =	sgt.s32 s18, $0x1F  }
0x11: {  	s18 =	smov.u32 @p2 s1;
	p2 =	sne.s32 s13, s8  }
.Ltmp1:
0x12: {  	p1 =	slt.u32 s13, $0x2;
	(pc) =	sbr.rel @!p2 .LBB1_8-.Ltmp1, $4  }
0x13: {  	s17 =	simm.s32 @!p1 $0x2  }
0x14: {  	s15 =	smov.u32 s12;
	p0 =	por !p0, !p0;
	_ =	swait.ge @!p1 [sflag:s17], $0x4000  }
0x15: {  	s14 =	smov.u32 s11;
	[sflag:s17] =	ssyncset.done @!p1 $0x0;
	s11 =	smov.u32 s16  }
0x16: {  	s13 =	sadd.s32 $0x1, s13;
	[sflag:s17] =	ssyncadd.s32 @!p1 $0xFFFFC000;
	s12 =	smov.u32 s18  }
.LBB1_1:
0x17: {  	p1 =	sge.u32 s13, s6;
	s31 =	sadd.s32 $0xFFFFFFFF, s13  }
0x18: {  	s16 =	sxor.u32 @!p1 $0xFFFFFFFF, s13;
	s17 =	sshll.u32 @!p1 s12, $0x10;
	s18 =	sshll.u32 @!p1 s11, $0xA  }
0x19: {  	s19 =	simm.s32 @!p1 $0x80000;
	s16 =	sshll.u32 @!p1 s16, $0xE;
	s17 =	sadd.s32 @!p1 s2, s17  }
0x1a: {  	s16 =	sand.u32 @!p1 $0x4000, s16;
	s17 =	sadd.s32 @!p1 s18, s17;
	s18 =	simm.s32 @!p1 $0x2000  }
0x1b: {  	[tilespmem:s16], [sflag:$0x1] =	stream.strided.gather @!p1 [hbm4b:s17+s18], $0x4000, s19, s18, $0x38;
	[tilespmem:$0x10200] =	vst v63  }
0x1c: {  	p1 =	sge.u32 s31, s6  }
.Ltmp2:
0x1d: {  	_ = 	snop;
	(pc) =	sbr.rel @p1 .LBB1_7-.Ltmp2, $1  }
0x1e: {  	_ =	sdelay $0x3  }
0x1f: {  	s16 =	simm.s32 $0x1;
	s18 =	sand.u32 $0x1, s13  }
0x20: {  	_ =	swait.ge [sflag:s5], $0x4000;
	s16 =	simm.s32 @!p0 $0x0;
	s18 =	smul.u32 $0x10400, s18  }
0x21: {  	p2 =	por $0x1, $0x1;
	[sflag:s5] =	ssyncset.done $0x0;
	s17 =	smul.u32 $0x10400, s16  }
0x22: {  	s19 =	sshll.u32 s16, $0x10;
	[sflag:s5] =	ssyncadd.s32 $0xFFFFC000;
	s30 =	sshrl.u32 s18, $0x2  }
0x23: {  	s31 =	sshrl.u32 s19, $0x2;
	s19 =	simm.s32 $0x0;
	s17 =	sshrl.u32 s17, $0x2  }
0x24: {  	s16 =	sor.u32 $0x8000, s30;
	s18 =	sadd.s32 $0x40, s31;
	s17 =	sor.u32 $0x8000, s17  }
.LBB1_3:
0x25: {  	s20 =	sshll.u32 s19, $0xD  }
0x26: {  	s20 =	sand.u32 $0x3FFFE000, s20  }
0x27: {  	s21 =	sadd.s32 s20, s18  }
0x28: {  	s31 =	smul.u32 $0x8200, s19;
	v0 =	vld [tilespmem:s21+$0x30]  }
0x29: {  	v1 =	vld [tilespmem:s21+$0xFFFFFFD0]  }
0x2a: {  	s19 =	sshra.s32 s31, $0x2;
	v5 =	vld [tilespmem:s21+$0xFFFFFFE0]  }
0x2b: {  	s19 =	sadd.s32 s19, s17;
	v6 =	vld [tilespmem:s21+$0xFFFFFFF0]  }
0x2c: {  	v2 =	vld [tilespmem:s21+$0x0];
	s20 =	sadd.s32 $0x0, s19  }
0x2d: {  	v3 =	vld [tilespmem:s21+$0x10];
	[tilespmem:s20+$0x1C70 ss:$0x41] =	vst.msk $0xffff, v0  }
0x2e: {  	v4 =	vld [tilespmem:s21+$0x20];
	[tilespmem:s20+$0x410 ss:$0x41] =	vst.msk $0xffff, v1  }
0x2f: {  	v0 =	vld [tilespmem:s21+$0xFFFFFFC0];
	[tilespmem:s20+$0x820 ss:$0x41] =	vst.msk $0xffff, v5;
	s21 =	sadd.s32 $0x80, s21  }
0x30: {  	p1 =	por p2, p2;
	s22 =	simm.s32 $0x4;
	s23 =	simm.s32 $0x8;
	[tilespmem:s20+$0xC30 ss:$0x41] =	vst.msk $0xffff, v6;
	v1 =	vld [tilespmem:s21+$0x30]  }
.LBB1_4:
0x31: {  	p2 =	sne.s32 s23, $0xFC;
	v5 =	vld [tilespmem:s21+$0xFFFFFFD0];
	[tilespmem:s20+$0x1040 ss:$0x41] =	vst.msk $0xffff, v2  }
0x32: {  	v6 =	vld [tilespmem:s21+$0xFFFFFFE0];
	[tilespmem:s20+$0x1450 ss:$0x41] =	vst.msk $0xffff, v3  }
0x33: {  	s24 =	sshra.s32 s22, $0x2;
	s22 =	smov.u32 s23;
	v7 =	vld [tilespmem:s21+$0xFFFFFFF0];
	[tilespmem:s20+$0x1860 ss:$0x41] =	vst.msk $0xffff, v4  }
.Ltmp3:
0x34: {  	v2 =	vld [tilespmem:s21+$0x0];
	[tilespmem:s20+$0x0 ss:$0x41] =	vst.msk $0xffff, v0;
	s20 =	sadd.s32 s24, s19;
	(pc) =	sbr.rel @p2 .LBB1_4-.Ltmp3, $4  }
0x35: {  	v3 =	vld [tilespmem:s21+$0x10];
	[tilespmem:s20+$0x1C70 ss:$0x41] =	vst.msk $0xffff, v1  }
0x36: {  	[tilespmem:s20+$0x410 ss:$0x41] =	vst.msk $0xffff, v5;
	v4 =	vld [tilespmem:s21+$0x20]  }
0x37: {  	v0 =	vld [tilespmem:s21+$0xFFFFFFC0];
	[tilespmem:s20+$0x820 ss:$0x41] =	vst.msk $0xffff, v6;
	s21 =	sadd.s32 $0x80, s21  }
0x38: {  	s23 =	sadd.s32 $0x4, s23;
	v1 =	vld [tilespmem:s21+$0x30];
	[tilespmem:s20+$0xC30 ss:$0x41] =	vst.msk $0xffff, v7  }
0x39: {  	v5 =	vld [tilespmem:s21+$0xFFFFFFD0];
	[tilespmem:s20+$0x1040 ss:$0x41] =	vst.msk $0xffff, v2  }
0x3a: {  	v58 =	vld [tilespmem:s21+$0xFFFFFFE0];
	[tilespmem:s20+$0x1450 ss:$0x41] =	vst.msk $0xffff, v3  }
0x3b: {  	s22 =	sshra.s32 s22, $0x2;
	v59 =	vld [tilespmem:s21+$0xFFFFFFF0];
	[tilespmem:s20+$0x1860 ss:$0x41] =	vst.msk $0xffff, v4  }
0x3c: {  	v60 =	vld [tilespmem:s21+$0x0];
	s19 =	sadd.s32 s22, s19;
	[tilespmem:s20+$0x0 ss:$0x41] =	vst.msk $0xffff, v0  }
0x3d: {  	v61 =	vld [tilespmem:s21+$0x10];
	[tilespmem:s19+$0x1C70 ss:$0x41] =	vst.msk $0xffff, v1  }
0x3e: {  	v62 =	vld [tilespmem:s21+$0x20];
	[tilespmem:s19+$0x410 ss:$0x41] =	vst.msk $0xffff, v5  }
0x3f: {  	v63 =	vld [tilespmem:s21+$0xFFFFFFC0];
	[tilespmem:s19+$0x820 ss:$0x41] =	vst.msk $0xffff, v58  }
.Ltmp4:
0x40: {  	[tilespmem:s19+$0xC30 ss:$0x41] =	vst.msk $0xffff, v59;
	(pc) =	sbr.rel @p1 .LBB1_3-.Ltmp4, $4  }
0x41: {  	[tilespmem:s19+$0x1040 ss:$0x41] =	vst.msk $0xffff, v60  }
0x42: {  	[tilespmem:s19+$0x1450 ss:$0x41] =	vst.msk $0xffff, v61  }
0x43: {  	[tilespmem:s19+$0x1860 ss:$0x41] =	vst.msk $0xffff, v62  }
0x44: {  	p2 =	por $0x0, $0x0;
	[tilespmem:s19+$0x0 ss:$0x41] =	vst.msk $0xffff, v63;
	s19 =	simm.s32 $0x1  }
.Ltmp5:
0x45: {  	(pc) =	sbr.rel .LBB1_7-.Ltmp5, $4  }
0x46: {  	s15 =	sshll.u32 s15, $0x11;
	s14 =	sshll.u32 s14, $0x4  }
0x47: {  	s14 =	sand.u32 $0x3F0, s14;
	s15 =	sadd.s32 s7, s15  }
0x48: {  	s14 =	sadd.s32 s14, s15  }
0x49: {  	[hbm4b:s14+s9] =	stream.strided.scatter [tilespmem:s16], [sflag:$0x2], $0x4000, s10, s9, $0x18;
	[tilespmem:$0x10200] =	vst v63  }
.LBB1_8:
0x4a: {  	_ =	sfence.sel $0x180000  }
0x4b: {  	s1 =	simm.s32 $0x1;
	[bflag:$0x0] =	sbarrier.arrive $0xFFFF  }
0x4c: {  	s31 =	simm.s32 $0x2;
	[sflag:s1] =	ssyncpa.u1 $0x1  }
0x4d: {  	[sflag:s31] =	ssyncpa.u1 $0x1  }
0x4e: {  	p0 =	sne.s32 s0, $0x0;
	_ =	strace $0x90000047  }
0x4f: {  	s0 =	sadd.s32 @!p0 $0x100000, s3;
	[bflag:$0x2] =	sbarrier.arrive $0xFFFF  }
0x50: {  	[sflag:s0] =	ssyncadd.tile.s32 @!p0 $0x1;
	_ =	shalt  }
.Lfunc_end1:
_tile_overlayer_lowered:
.L_overlay_start_2:
0x51: {  	(tag) =	ssettag $0x2  }
0x52: {  	s0 =	rddreg [dreg:$0x0];
	s2 =	stileid.u32  }
0x53: {  	s1 =	rddreg [dreg:$0x1];
	p0 =	sne.s32 s2, $0x0  }
0x54: {  	s3 =	rddreg [dreg:$0x2];
	[bflag:$0x3] =	sbarrier.arrive $0xFFFF;
	s2 =	simm.s32 @!p0 $0x1C01  }
0x55: {  	[timem:s3], [sflag:s2] =	dma.local @!p0 [hbm:s0], s1  }
0x56: {  	s0 =	simm.s32 @!p0 $0x1  }
0x57: {  	_ =	swait.ge @!p0 [sflag:s0], s1  }
0x58: {  	s1 =	ssub.s32 @!p0 $0x0, s1;
	[sflag:s0] =	ssyncset.done @!p0 $0x0  }
0x59: {  	[sflag:s0] =	ssyncadd.s32 @!p0 s1  }
0x5a: {  	[bflag:$0x3] =	sbarrier.arrive $0xFFFF  }
0x5b: {  	_ =	shalt  }

</sc_bundles>
